<compile_context>
chip_gen: v7x
topology: tpu7x:2x2x1
jax: 0.10.2.dev20260603
libtpu: 0.0.44.dev20260713+nightly
codegen_flags: <defaults>
</compile_context>

<pallas_src>
import functools

import jax
import jax.numpy as jnp
from jax import lax
from jax.experimental import pallas as pl
from jax.experimental.pallas import tpu as pltpu
from jax.experimental.pallas import tpu_sc as plsc

_SIGMA = 1.0
_EPS = 1e-7
_L = 16
_NC = 2
_NS = 16
_NW = _NC * _NS
_C = 2000


def _logf(x):
    bits = lax.bitcast_convert_type(x, jnp.int32)
    e = ((bits >> 23) & 0xFF) - 126
    m = lax.bitcast_convert_type((bits & 0x007FFFFF) | 0x3F000000, jnp.float32)
    lt = m < 0.7071067811865476
    e = e - lt.astype(jnp.int32)
    f = jnp.where(lt, m + m, m) - 1.0
    z = f * f
    p = jnp.full_like(f, 7.0376836292e-2)
    for c in (-1.1514610310e-1, 1.1676998740e-1, -1.2420140846e-1,
              1.4249322787e-1, -1.6668057665e-1, 2.0000714765e-1,
              -2.4999993993e-1, 3.3333331174e-1):
        p = p * f + c
    ef = e.astype(jnp.float32)
    y = p * f * z + ef * (-2.12194440e-4) - 0.5 * z
    return f + y + ef * 0.693359375


@functools.lru_cache(maxsize=None)
def _build(n_chunks):
    base_chunks = n_chunks // _NW
    extra = n_chunks % _NW
    g_loop = base_chunks + (1 if extra else 0)
    if g_loop % 2:
        g_loop += 1

    def body(packed, idxi, idxj, out,
             ii0, ij0, pi0, pj0, ii1, ij1, pi1, pj1, accvm, sem0, sem1):
        cid = lax.axis_index("c")
        sid = lax.axis_index("s")
        wid = sid * _NC + cid
        start_chunk = wid * base_chunks + jnp.minimum(wid, extra)
        my_chunks = base_chunks + jnp.where(wid < extra, 1, 0)
        ibufs = (ii0, ii1)
        jbufs = (ij0, ij1)
        pibufs = (pi0, pi1)
        pjbufs = (pj0, pj1)
        sems = (sem0, sem1)

        def start(g, b):
            off = jnp.minimum(start_chunk + g, n_chunks - 1) * _C
            pltpu.sync_copy(idxi.at[pl.ds(off, _C)], ibufs[b])
            pltpu.sync_copy(idxj.at[pl.ds(off, _C)], jbufs[b])
            pltpu.async_copy(packed.at[ibufs[b]], pibufs[b], sems[b])
            pltpu.async_copy(packed.at[jbufs[b]], pjbufs[b], sems[b])

        def wait(b):
            pltpu.make_async_copy(packed.at[ibufs[b]], pibufs[b], sems[b]).wait()
            pltpu.make_async_copy(packed.at[jbufs[b]], pjbufs[b], sems[b]).wait()

        def chunk_sum(b):
            ib, jb, pib, pjb = ibufs[b], jbufs[b], pibufs[b], pjbufs[b]

            def kbody(k, carry):
                a, c2 = carry
                sl = pl.ds(k * _L, _L)
                iv = ib[sl]
                jv = jb[sl]
                pk_i = pib[sl]
                pk_j = pjb[sl]
                s_i = lax.bitcast_convert_type(pk_i & (-65536), jnp.float32)
                y_i = lax.bitcast_convert_type(pk_i << 16, jnp.float32)
                s_j = lax.bitcast_convert_type(pk_j & (-65536), jnp.float32)
                y_j = lax.bitcast_convert_type(pk_j << 16, jnp.float32)
                d = _SIGMA * (s_i - s_j)
                pred = 1.0 / (1.0 + jnp.exp(-d))
                lp = _logf(pred + _EPS)
                lq = _logf((1.0 - pred) + _EPS)
                t = (jnp.sign(y_i - y_j) + 1.0) * 0.5
                loss = -(t * lp + (1.0 - t) * lq)
                v = iv != jv
                a = a + jnp.where(v, loss, 0.0)
                c2 = c2 + jnp.where(v, 1.0, 0.0)
                return a, c2

            zf = jnp.zeros((_L,), jnp.float32)
            return lax.fori_loop(0, _C // _L, kbody, (zf, zf))

        start(0, 0)
        zf = jnp.zeros((_L,), jnp.float32)

        @pl.loop(0, g_loop, step=2, init_carry=(zf, zf))
        def run(t, carry):
            acc, cnt = carry
            for b in (0, 1):
                g = t + b
                start(g + 1, 1 - b)
                wait(b)
                lw = jnp.where(g < my_chunks, 1.0, 0.0).astype(jnp.float32)
                ca, cc = chunk_sum(b)
                acc = acc + lw * ca
                cnt = cnt + lw * cc
            return acc, cnt

        acc, cnt = run
        wait(g_loop % 2)
        accvm[0, :] = acc
        accvm[1, :] = cnt
        pltpu.sync_copy(accvm, out.at[wid])

    mesh = plsc.VectorSubcoreMesh(core_axis_name="c", subcore_axis_name="s",
                                  num_cores=_NC, num_subcores=_NS)
    buf_i32 = pltpu.VMEM((_C,), jnp.int32)
    return pl.kernel(
        body,
        out_type=jax.ShapeDtypeStruct((_NW, 2, _L), jnp.float32),
        mesh=mesh,
        compiler_params=pltpu.CompilerParams(needs_layout_passes=False,
                                             use_tc_tiling_on_sc=False),
        scratch_types=[
            buf_i32, buf_i32, buf_i32, buf_i32,
            buf_i32, buf_i32, buf_i32, buf_i32,
            pltpu.VMEM((2, _L), jnp.float32),
            pltpu.SemaphoreType.DMA,
            pltpu.SemaphoreType.DMA,
        ],
    )


def kernel(scores, labels, idx_i, idx_j):
    n_pairs = idx_i.shape[0]
    if n_pairs % _C:
        raise ValueError("n_pairs must be a multiple of the chunk size")
    n_chunks = n_pairs // _C

    sb = lax.bitcast_convert_type(scores.astype(jnp.bfloat16),
                                  jnp.uint16).astype(jnp.uint32) << 16
    lb = lax.bitcast_convert_type(labels.astype(jnp.bfloat16),
                                  jnp.uint16).astype(jnp.uint32)
    packed = lax.bitcast_convert_type(sb | lb, jnp.int32)

    parts = _build(n_chunks)(packed, idx_i.astype(jnp.int32),
                             idx_j.astype(jnp.int32))
    return jnp.sum(parts[:, 0, :]) / jnp.sum(parts[:, 1, :])

# --- scband reference (transcript-rebuilt; emitter-appended) ---
"""Pipeline reference for scband-rank-net-loss-78073915506809 (READ-ONLY COPY).

The authoritative reference and input builder live on the scoring server;
editing this copy changes nothing except your own understanding.
"""

import jax, jax.numpy as jnp
import numpy as np

SIGMA = 1.0
N = 1000000


def setup_inputs(seed: int = 0) -> dict:
    key = jax.random.key(seed)
    k1, k2, k3, k4 = jax.random.split(key, 4)
    scores = jax.random.normal(k1, (N,), dtype=jnp.float32)
    labels = jax.random.normal(k2, (N,), dtype=jnp.float32)
    n_pairs = min(N * 10, N * (N - 1) // 2)
    # The torch module samples these pair indices internally with torch.randint.
    # They are constants w.r.t. the math; we materialize them here for determinism.
    idx_i = jax.random.randint(k3, (n_pairs,), 0, N, dtype=jnp.int32)
    idx_j = jax.random.randint(k4, (n_pairs,), 0, N, dtype=jnp.int32)
    return {"scores": scores, "labels": labels, "idx_i": idx_i, "idx_j": idx_j}


def reference(scores, labels, idx_i, idx_j):
    # _compute_global_loss, faithful translation
    valid = idx_i != idx_j
    s_i = jnp.take(scores, idx_i, axis=0)
    s_j = jnp.take(scores, idx_j, axis=0)
    y_i = jnp.take(labels, idx_i, axis=0)
    y_j = jnp.take(labels, idx_j, axis=0)
    diff = y_i - y_j
    target = (jnp.sign(diff) + 1.0) / 2.0
    pred = jax.nn.sigmoid(SIGMA * (s_i - s_j))
    eps = 1e-07
    loss = -target * jnp.log(pred + eps) - (1.0 - target) * jnp.log(1.0 - pred + eps)
    loss_masked = jnp.where(valid, loss, 0.0)
    n_valid = jnp.sum(valid).astype(loss.dtype)
    return jnp.sum(loss_masked) / n_valid

if __name__ == "__main__":
    import jax
    _d = setup_inputs()
    print(jax.jit(kernel)(*tuple(_d.values())))

</pallas_src>

<mosaic_0001>
#map = affine_map<(d0, d1) -> (0)>
#map1 = affine_map<(d0, d1) -> (0, 0, 0)>
module attributes {stable_mosaic.version = 14 : i64} {
  func.func @body(%arg0: i32, %arg1: i32, %arg2: memref<1000000xi32, #tpu.memory_space<hbm>>, %arg3: memref<10000000xi32, #tpu.memory_space<hbm>>, %arg4: memref<10000000xi32, #tpu.memory_space<hbm>>, %arg5: memref<32x2x16xf32, #tpu.memory_space<hbm>>, %arg6: memref<2000xi32, #tpu.memory_space<vmem>>, %arg7: memref<2000xi32, #tpu.memory_space<vmem>>, %arg8: memref<2000xi32, #tpu.memory_space<vmem>>, %arg9: memref<2000xi32, #tpu.memory_space<vmem>>, %arg10: memref<2000xi32, #tpu.memory_space<vmem>>, %arg11: memref<2000xi32, #tpu.memory_space<vmem>>, %arg12: memref<2000xi32, #tpu.memory_space<vmem>>, %arg13: memref<2000xi32, #tpu.memory_space<vmem>>, %arg14: memref<2x16xf32, #tpu.memory_space<vmem>>, %arg15: memref<!tpu.dma_semaphore, #tpu.memory_space<semaphore_mem>>, %arg16: memref<!tpu.dma_semaphore, #tpu.memory_space<semaphore_mem>>) attributes {dimension_semantics = [#tpu.dimension_semantics<core_parallel>, #tpu.dimension_semantics<subcore_parallel>], iteration_bounds = array<i64: 2, 16>, scalar_prefetch = 0 : i64, scratch_operands = 11 : i64, tpu.core_type = #tpu.core_type<sc_vector_subcore>, window_params = [{transform_indices = #map}, {transform_indices = #map}, {transform_indices = #map}, {transform_indices = #map1}]} {
    %mul3A = arith.constant 2 : i32
    %mul3A_0 = arith.muli %arg1, %mul3A : i32
    %add3A = arith.addi %mul3A_0, %arg0 : i32
    %mul3A_1 = arith.constant 156 : i32
    %mul3A_2 = arith.muli %add3A, %mul3A_1 : i32
    %min3A = arith.constant 8 : i32
    %min3A_3 = arith.minsi %add3A, %min3A : i32
    %add3A_4 = arith.addi %mul3A_2, %min3A_3 : i32
    %lt3A = arith.constant 8 : i32
    %lt3A_5 = arith.cmpi slt, %add3A, %lt3A : i32
    %jit3A = arith.constant 1 : i32
    %jit3A_6 = arith.constant 0 : i32
    %select_n3A = arith.select %lt3A_5, %jit3A, %jit3A_6 : i32
    %add3A_7 = arith.constant 156 : i32
    %add3A_8 = arith.addi %add3A_7, %select_n3A : i32
    %add3A_9 = arith.constant 0 : i32
    %add3A_10 = arith.addi %add3A_4, %add3A_9 : i32
    %min3A_11 = arith.constant 4999 : i32
    %min3A_12 = arith.minsi %add3A_10, %min3A_11 : i32
    %mul3A_13 = arith.constant 2000 : i32
    %mul3A_14 = arith.muli %min3A_12, %mul3A_13 : i32
    "tpu.region"() ({
      %run_scoped3A = tpu.sem_alloc : memref<!tpu.dma_semaphore, #tpu.memory_space<semaphore_mem>>
      %dma_start3A_34 = tpu.memref_slice %arg3[%mul3A_14] : memref<10000000xi32, #tpu.memory_space<hbm>> -> memref<2000xi32, #tpu.memory_space<hbm>>
      %dma_start3A_35 = tpu.memref_slice %arg3[%mul3A_14] : memref<10000000xi32, #tpu.memory_space<hbm>> -> memref<2000xi32, #tpu.memory_space<hbm>>
      tpu.enqueue_dma source(%dma_start3A_35 : memref<2000xi32, #tpu.memory_space<hbm>>) target(%arg6 : memref<2000xi32, #tpu.memory_space<vmem>>) target_semaphore(%run_scoped3A : memref<!tpu.dma_semaphore, #tpu.memory_space<semaphore_mem>>)
      %dma_wait3A_36 = tpu.memref_slice %arg3[%mul3A_14] : memref<10000000xi32, #tpu.memory_space<hbm>> -> memref<2000xi32, #tpu.memory_space<hbm>>
      %dma_wait3A_37 = tpu.memref_slice %arg3[%mul3A_14] : memref<10000000xi32, #tpu.memory_space<hbm>> -> memref<2000xi32, #tpu.memory_space<hbm>>
      tpu.wait_dma2 semaphore(%run_scoped3A : memref<!tpu.dma_semaphore, #tpu.memory_space<semaphore_mem>>) src(%dma_wait3A_37 : memref<2000xi32, #tpu.memory_space<hbm>>) dst(%arg6 : memref<2000xi32, #tpu.memory_space<vmem>>)
      tpu.yield
    }) : () -> ()
    "tpu.region"() ({
      %run_scoped3A = tpu.sem_alloc : memref<!tpu.dma_semaphore, #tpu.memory_space<semaphore_mem>>
      %dma_start3A_34 = tpu.memref_slice %arg4[%mul3A_14] : memref<10000000xi32, #tpu.memory_space<hbm>> -> memref<2000xi32, #tpu.memory_space<hbm>>
      %dma_start3A_35 = tpu.memref_slice %arg4[%mul3A_14] : memref<10000000xi32, #tpu.memory_space<hbm>> -> memref<2000xi32, #tpu.memory_space<hbm>>
      tpu.enqueue_dma source(%dma_start3A_35 : memref<2000xi32, #tpu.memory_space<hbm>>) target(%arg7 : memref<2000xi32, #tpu.memory_space<vmem>>) target_semaphore(%run_scoped3A : memref<!tpu.dma_semaphore, #tpu.memory_space<semaphore_mem>>)
      %dma_wait3A_36 = tpu.memref_slice %arg4[%mul3A_14] : memref<10000000xi32, #tpu.memory_space<hbm>> -> memref<2000xi32, #tpu.memory_space<hbm>>
      %dma_wait3A_37 = tpu.memref_slice %arg4[%mul3A_14] : memref<10000000xi32, #tpu.memory_space<hbm>> -> memref<2000xi32, #tpu.memory_space<hbm>>
      tpu.wait_dma2 semaphore(%run_scoped3A : memref<!tpu.dma_semaphore, #tpu.memory_space<semaphore_mem>>) src(%dma_wait3A_37 : memref<2000xi32, #tpu.memory_space<hbm>>) dst(%arg7 : memref<2000xi32, #tpu.memory_space<vmem>>)
      tpu.yield
    }) : () -> ()
    %dma_start3A = arith.constant 0 : i32
    %dma_start3A_15 = tpu.memref_slice %arg2[%dma_start3A] : memref<1000000xi32, #tpu.memory_space<hbm>> -> memref<1000000xi32, #tpu.memory_space<hbm>>
    tpu.enqueue_indirect_dma source(%dma_start3A_15 : memref<1000000xi32, #tpu.memory_space<hbm>>) target(%arg8 : memref<2000xi32, #tpu.memory_space<vmem>>) offsets(%arg6 : memref<2000xi32, #tpu.memory_space<vmem>>) semaphore(%arg15 : memref<!tpu.dma_semaphore, #tpu.memory_space<semaphore_mem>>)
    %dma_start3A_16 = arith.constant 0 : i32
    %dma_start3A_17 = tpu.memref_slice %arg2[%dma_start3A_16] : memref<1000000xi32, #tpu.memory_space<hbm>> -> memref<1000000xi32, #tpu.memory_space<hbm>>
    tpu.enqueue_indirect_dma source(%dma_start3A_17 : memref<1000000xi32, #tpu.memory_space<hbm>>) target(%arg9 : memref<2000xi32, #tpu.memory_space<vmem>>) offsets(%arg7 : memref<2000xi32, #tpu.memory_space<vmem>>) semaphore(%arg15 : memref<!tpu.dma_semaphore, #tpu.memory_space<semaphore_mem>>)
    %broadcast_in_dim3A = arith.constant 0.000000e+00 : f32
    %broadcast_in_dim3A_18 = vector.broadcast %broadcast_in_dim3A : f32 to vector<16xf32>
    %scan3A = arith.constant 0 : i32
    %scan3A_19 = arith.constant 79 : i32
    %scan3A_20 = arith.addi %scan3A, %scan3A_19 : i32
    %scan3A_21 = arith.constant 1 : i32
    %scan3A_22:2 = scf.for %scan3A_34 = %scan3A to %scan3A_20 step %scan3A_21 iter_args(%scan3A_35 = %broadcast_in_dim3A_18, %scan3A_36 = %broadcast_in_dim3A_18) -> (vector<16xf32>, vector<16xf32>)  : i32 {
      %mul3A_37 = arith.constant 2 : i32
      %mul3A_38 = arith.muli %scan3A_34, %mul3A_37 : i32
      %add3A_39 = arith.constant 0 : i32
      %add3A_40 = arith.addi %add3A_39, %mul3A_38 : i32
      %add3A_41 = arith.constant 0 : i32
      %add3A_42 = arith.addi %add3A_40, %add3A_41 : i32
      %add3A_43 = arith.constant 1 : i32
      %add3A_44 = arith.addi %add3A_42, %add3A_43 : i32
      %add3A_45 = arith.addi %add3A_4, %add3A_44 : i32
      %min3A_46 = arith.constant 4999 : i32
      %min3A_47 = arith.minsi %add3A_45, %min3A_46 : i32
      %mul3A_48 = arith.constant 2000 : i32
      %mul3A_49 = arith.muli %min3A_47, %mul3A_48 : i32
      "tpu.region"() ({
        %run_scoped3A = tpu.sem_alloc : memref<!tpu.dma_semaphore, #tpu.memory_space<semaphore_mem>>
        %dma_start3A_111 = tpu.memref_slice %arg3[%mul3A_49] : memref<10000000xi32, #tpu.memory_space<hbm>> -> memref<2000xi32, #tpu.memory_space<hbm>>
        %dma_start3A_112 = tpu.memref_slice %arg3[%mul3A_49] : memref<10000000xi32, #tpu.memory_space<hbm>> -> memref<2000xi32, #tpu.memory_space<hbm>>
        tpu.enqueue_dma source(%dma_start3A_112 : memref<2000xi32, #tpu.memory_space<hbm>>) target(%arg10 : memref<2000xi32, #tpu.memory_space<vmem>>) target_semaphore(%run_scoped3A : memref<!tpu.dma_semaphore, #tpu.memory_space<semaphore_mem>>)
        %dma_wait3A_113 = tpu.memref_slice %arg3[%mul3A_49] : memref<10000000xi32, #tpu.memory_space<hbm>> -> memref<2000xi32, #tpu.memory_space<hbm>>
        %dma_wait3A_114 = tpu.memref_slice %arg3[%mul3A_49] : memref<10000000xi32, #tpu.memory_space<hbm>> -> memref<2000xi32, #tpu.memory_space<hbm>>
        tpu.wait_dma2 semaphore(%run_scoped3A : memref<!tpu.dma_semaphore, #tpu.memory_space<semaphore_mem>>) src(%dma_wait3A_114 : memref<2000xi32, #tpu.memory_space<hbm>>) dst(%arg10 : memref<2000xi32, #tpu.memory_space<vmem>>)
        tpu.yield
      }) : () -> ()
      "tpu.region"() ({
        %run_scoped3A = tpu.sem_alloc : memref<!tpu.dma_semaphore, #tpu.memory_space<semaphore_mem>>
        %dma_start3A_111 = tpu.memref_slice %arg4[%mul3A_49] : memref<10000000xi32, #tpu.memory_space<hbm>> -> memref<2000xi32, #tpu.memory_space<hbm>>
        %dma_start3A_112 = tpu.memref_slice %arg4[%mul3A_49] : memref<10000000xi32, #tpu.memory_space<hbm>> -> memref<2000xi32, #tpu.memory_space<hbm>>
        tpu.enqueue_dma source(%dma_start3A_112 : memref<2000xi32, #tpu.memory_space<hbm>>) target(%arg11 : memref<2000xi32, #tpu.memory_space<vmem>>) target_semaphore(%run_scoped3A : memref<!tpu.dma_semaphore, #tpu.memory_space<semaphore_mem>>)
        %dma_wait3A_113 = tpu.memref_slice %arg4[%mul3A_49] : memref<10000000xi32, #tpu.memory_space<hbm>> -> memref<2000xi32, #tpu.memory_space<hbm>>
        %dma_wait3A_114 = tpu.memref_slice %arg4[%mul3A_49] : memref<10000000xi32, #tpu.memory_space<hbm>> -> memref<2000xi32, #tpu.memory_space<hbm>>
        tpu.wait_dma2 semaphore(%run_scoped3A : memref<!tpu.dma_semaphore, #tpu.memory_space<semaphore_mem>>) src(%dma_wait3A_114 : memref<2000xi32, #tpu.memory_space<hbm>>) dst(%arg11 : memref<2000xi32, #tpu.memory_space<vmem>>)
        tpu.yield
      }) : () -> ()
      %dma_start3A_50 = arith.constant 0 : i32
      %dma_start3A_51 = tpu.memref_slice %arg2[%dma_start3A_50] : memref<1000000xi32, #tpu.memory_space<hbm>> -> memref<1000000xi32, #tpu.memory_space<hbm>>
      tpu.enqueue_indirect_dma source(%dma_start3A_51 : memref<1000000xi32, #tpu.memory_space<hbm>>) target(%arg12 : memref<2000xi32, #tpu.memory_space<vmem>>) offsets(%arg10 : memref<2000xi32, #tpu.memory_space<vmem>>) semaphore(%arg16 : memref<!tpu.dma_semaphore, #tpu.memory_space<semaphore_mem>>)
      %dma_start3A_52 = arith.constant 0 : i32
      %dma_start3A_53 = tpu.memref_slice %arg2[%dma_start3A_52] : memref<1000000xi32, #tpu.memory_space<hbm>> -> memref<1000000xi32, #tpu.memory_space<hbm>>
      tpu.enqueue_indirect_dma source(%dma_start3A_53 : memref<1000000xi32, #tpu.memory_space<hbm>>) target(%arg13 : memref<2000xi32, #tpu.memory_space<vmem>>) offsets(%arg11 : memref<2000xi32, #tpu.memory_space<vmem>>) semaphore(%arg16 : memref<!tpu.dma_semaphore, #tpu.memory_space<semaphore_mem>>)
      %dma_wait3A_54 = arith.constant 0 : i32
      %dma_wait3A_55 = tpu.memref_slice %arg2[%dma_wait3A_54] : memref<1000000xi32, #tpu.memory_space<hbm>> -> memref<1000000xi32, #tpu.memory_space<hbm>>
      tpu.wait_indirect_dma semaphore(%arg15 : memref<!tpu.dma_semaphore, #tpu.memory_space<semaphore_mem>>) src(%dma_wait3A_55 : memref<1000000xi32, #tpu.memory_space<hbm>>) dst(%arg8 : memref<2000xi32, #tpu.memory_space<vmem>>)
      %dma_wait3A_56 = arith.constant 0 : i32
      %dma_wait3A_57 = tpu.memref_slice %arg2[%dma_wait3A_56] : memref<1000000xi32, #tpu.memory_space<hbm>> -> memref<1000000xi32, #tpu.memory_space<hbm>>
      tpu.wait_indirect_dma semaphore(%arg15 : memref<!tpu.dma_semaphore, #tpu.memory_space<semaphore_mem>>) src(%dma_wait3A_57 : memref<1000000xi32, #tpu.memory_space<hbm>>) dst(%arg9 : memref<2000xi32, #tpu.memory_space<vmem>>)
      %lt3A_58 = arith.cmpi slt, %add3A_42, %add3A_8 : i32
      %jit3A_59 = arith.constant 1.000000e+00 : f32
      %jit3A_60 = arith.constant 0.000000e+00 : f32
      %select_n3A_61 = arith.select %lt3A_58, %jit3A_59, %jit3A_60 : f32
      %broadcast_in_dim3A_62 = arith.constant 0.000000e+00 : f32
      %broadcast_in_dim3A_63 = vector.broadcast %broadcast_in_dim3A_62 : f32 to vector<16xf32>
      %scan3A_64 = arith.constant 0 : i32
      %scan3A_65 = arith.constant 125 : i32
      %scan3A_66 = arith.addi %scan3A_64, %scan3A_65 : i32
      %scan3A_67 = arith.constant 1 : i32
      %scan3A_68:2 = scf.for %scan3A_111 = %scan3A_64 to %scan3A_66 step %scan3A_67 iter_args(%scan3A_112 = %broadcast_in_dim3A_63, %scan3A_113 = %broadcast_in_dim3A_63) -> (vector<16xf32>, vector<16xf32>)  : i32 {
        %mul3A_114 = arith.constant 16 : i32
        %mul3A_115 = arith.muli %scan3A_111, %mul3A_114 : i32
        %get3A = arith.index_cast %mul3A_115 : i32 to index
        %get3A_116 = tpu.vector_load %arg6[%get3A] {strides = array<i32>} : memref<2000xi32, #tpu.memory_space<vmem>>, vector<16xi32>,
        %get3A_117 = arith.index_cast %mul3A_115 : i32 to index
        %get3A_118 = tpu.vector_load %arg7[%get3A_117] {strides = array<i32>} : memref<2000xi32, #tpu.memory_space<vmem>>, vector<16xi32>,
        %get3A_119 = arith.index_cast %mul3A_115 : i32 to index
        %get3A_120 = tpu.vector_load %arg8[%get3A_119] {strides = array<i32>} : memref<2000xi32, #tpu.memory_space<vmem>>, vector<16xi32>,
        %get3A_121 = arith.index_cast %mul3A_115 : i32 to index
        %get3A_122 = tpu.vector_load %arg9[%get3A_121] {strides = array<i32>} : memref<2000xi32, #tpu.memory_space<vmem>>, vector<16xi32>,
        %and3A = arith.constant -65536 : i32
        %and3A_123 = vector.broadcast %and3A : i32 to vector<16xi32>
        %and3A_124 = arith.andi %get3A_120, %and3A_123 : vector<16xi32>
        %bitcast_convert_type3A = tpu.bitcast %and3A_124 : vector<16xi32> -> vector<16xf32>
        %shift_left3A = arith.constant 16 : i32
        %shift_left3A_125 = vector.broadcast %shift_left3A : i32 to vector<16xi32>
        %shift_left3A_126 = arith.shli %get3A_120, %shift_left3A_125 : vector<16xi32>
        %bitcast_convert_type3A_127 = tpu.bitcast %shift_left3A_126 : vector<16xi32> -> vector<16xf32>
        %and3A_128 = arith.constant -65536 : i32
        %and3A_129 = vector.broadcast %and3A_128 : i32 to vector<16xi32>
        %and3A_130 = arith.andi %get3A_122, %and3A_129 : vector<16xi32>
        %bitcast_convert_type3A_131 = tpu.bitcast %and3A_130 : vector<16xi32> -> vector<16xf32>
        %shift_left3A_132 = arith.constant 16 : i32
        %shift_left3A_133 = vector.broadcast %shift_left3A_132 : i32 to vector<16xi32>
        %shift_left3A_134 = arith.shli %get3A_122, %shift_left3A_133 : vector<16xi32>
        %bitcast_convert_type3A_135 = tpu.bitcast %shift_left3A_134 : vector<16xi32> -> vector<16xf32>
        %sub3A = arith.subf %bitcast_convert_type3A, %bitcast_convert_type3A_131 : vector<16xf32>
        %mul3A_136 = arith.constant 1.000000e+00 : f32
        %mul3A_137 = vector.broadcast %mul3A_136 : f32 to vector<16xf32>
        %mul3A_138 = arith.mulf %mul3A_137, %sub3A : vector<16xf32>
        %neg3A = arith.constant 0.000000e+00 : f32
        %neg3A_139 = vector.broadcast %neg3A : f32 to vector<16xf32>
        %neg3A_140 = arith.subf %neg3A_139, %mul3A_138 : vector<16xf32>
        %exp3A = math.exp %neg3A_140 : vector<16xf32>
        %add3A_141 = arith.constant 1.000000e+00 : f32
        %add3A_142 = vector.broadcast %add3A_141 : f32 to vector<16xf32>
        %add3A_143 = arith.addf %add3A_142, %exp3A : vector<16xf32>
        %div3A = arith.constant 1.000000e+00 : f32
        %div3A_144 = vector.broadcast %div3A : f32 to vector<16xf32>
        %div3A_145 = arith.divf %div3A_144, %add3A_143 : vector<16xf32>
        %add3A_146 = arith.constant 1.000000e-07 : f32
        %add3A_147 = vector.broadcast %add3A_146 : f32 to vector<16xf32>
        %add3A_148 = arith.addf %div3A_145, %add3A_147 : vector<16xf32>
        %bitcast_convert_type3A_149 = tpu.bitcast %add3A_148 : vector<16xf32> -> vector<16xi32>
        %shift_right_arithmetic3A = arith.constant 23 : i32
        %shift_right_arithmetic3A_150 = vector.broadcast %shift_right_arithmetic3A : i32 to vector<16xi32>
        %shift_right_arithmetic3A_151 = arith.shrsi %bitcast_convert_type3A_149, %shift_right_arithmetic3A_150 : vector<16xi32>
        %and3A_152 = arith.constant 255 : i32
        %and3A_153 = vector.broadcast %and3A_152 : i32 to vector<16xi32>
        %and3A_154 = arith.andi %shift_right_arithmetic3A_151, %and3A_153 : vector<16xi32>
        %sub3A_155 = arith.constant 126 : i32
        %sub3A_156 = vector.broadcast %sub3A_155 : i32 to vector<16xi32>
        %sub3A_157 = arith.subi %and3A_154, %sub3A_156 : vector<16xi32>
        %and3A_158 = arith.constant 8388607 : i32
        %and3A_159 = vector.broadcast %and3A_158 : i32 to vector<16xi32>
        %and3A_160 = arith.andi %bitcast_convert_type3A_149, %and3A_159 : vector<16xi32>
        %or3A = arith.constant 1056964608 : i32
        %or3A_161 = vector.broadcast %or3A : i32 to vector<16xi32>
        %or3A_162 = arith.ori %and3A_160, %or3A_161 : vector<16xi32>
        %bitcast_convert_type3A_163 = tpu.bitcast %or3A_162 : vector<16xi32> -> vector<16xf32>
        %lt3A_164 = arith.constant 0.707106769 : f32
        %lt3A_165 = vector.broadcast %lt3A_164 : f32 to vector<16xf32>
        %lt3A_166 = arith.cmpf olt, %bitcast_convert_type3A_163, %lt3A_165 : vector<16xf32>
        %convert_element_type3A = arith.extui %lt3A_166 : vector<16xi1> to vector<16xi32>
        %sub3A_167 = arith.subi %sub3A_157, %convert_element_type3A : vector<16xi32>
        %add3A_168 = arith.addf %bitcast_convert_type3A_163, %bitcast_convert_type3A_163 : vector<16xf32>
        %select_n3A_169 = arith.select %lt3A_166, %add3A_168, %bitcast_convert_type3A_163 : vector<16xi1>, vector<16xf32>
        %sub3A_170 = arith.constant 1.000000e+00 : f32
        %sub3A_171 = vector.broadcast %sub3A_170 : f32 to vector<16xf32>
        %sub3A_172 = arith.subf %select_n3A_169, %sub3A_171 : vector<16xf32>
        %mul3A_173 = arith.mulf %sub3A_172, %sub3A_172 : vector<16xf32>
        %broadcast_in_dim3A_174 = arith.constant 0.0703768358 : f32
        %broadcast_in_dim3A_175 = vector.broadcast %broadcast_in_dim3A_174 : f32 to vector<16xf32>
        %mul3A_176 = arith.mulf %broadcast_in_dim3A_175, %sub3A_172 : vector<16xf32>
        %add3A_177 = arith.constant -0.115146101 : f32
        %add3A_178 = vector.broadcast %add3A_177 : f32 to vector<16xf32>
        %add3A_179 = arith.addf %mul3A_176, %add3A_178 : vector<16xf32>
        %mul3A_180 = arith.mulf %add3A_179, %sub3A_172 : vector<16xf32>
        %add3A_181 = arith.constant 0.116769984 : f32
        %add3A_182 = vector.broadcast %add3A_181 : f32 to vector<16xf32>
        %add3A_183 = arith.addf %mul3A_180, %add3A_182 : vector<16xf32>
        %mul3A_184 = arith.mulf %add3A_183, %sub3A_172 : vector<16xf32>
        %add3A_185 = arith.constant -0.12420141 : f32
        %add3A_186 = vector.broadcast %add3A_185 : f32 to vector<16xf32>
        %add3A_187 = arith.addf %mul3A_184, %add3A_186 : vector<16xf32>
        %mul3A_188 = arith.mulf %add3A_187, %sub3A_172 : vector<16xf32>
        %add3A_189 = arith.constant 0.142493233 : f32
        %add3A_190 = vector.broadcast %add3A_189 : f32 to vector<16xf32>
        %add3A_191 = arith.addf %mul3A_188, %add3A_190 : vector<16xf32>
        %mul3A_192 = arith.mulf %add3A_191, %sub3A_172 : vector<16xf32>
        %add3A_193 = arith.constant -0.166680574 : f32
        %add3A_194 = vector.broadcast %add3A_193 : f32 to vector<16xf32>
        %add3A_195 = arith.addf %mul3A_192, %add3A_194 : vector<16xf32>
        %mul3A_196 = arith.mulf %add3A_195, %sub3A_172 : vector<16xf32>
        %add3A_197 = arith.constant 0.200007141 : f32
        %add3A_198 = vector.broadcast %add3A_197 : f32 to vector<16xf32>
        %add3A_199 = arith.addf %mul3A_196, %add3A_198 : vector<16xf32>
        %mul3A_200 = arith.mulf %add3A_199, %sub3A_172 : vector<16xf32>
        %add3A_201 = arith.constant -0.24999994 : f32
        %add3A_202 = vector.broadcast %add3A_201 : f32 to vector<16xf32>
        %add3A_203 = arith.addf %mul3A_200, %add3A_202 : vector<16xf32>
        %mul3A_204 = arith.mulf %add3A_203, %sub3A_172 : vector<16xf32>
        %add3A_205 = arith.constant 0.333333313 : f32
        %add3A_206 = vector.broadcast %add3A_205 : f32 to vector<16xf32>
        %add3A_207 = arith.addf %mul3A_204, %add3A_206 : vector<16xf32>
        %convert_element_type3A_208 = arith.sitofp %sub3A_167 : vector<16xi32> to vector<16xf32>
        %mul3A_209 = arith.mulf %add3A_207, %sub3A_172 : vector<16xf32>
        %mul3A_210 = arith.mulf %mul3A_209, %mul3A_173 : vector<16xf32>
        %mul3A_211 = arith.constant -2.12194442E-4 : f32
        %mul3A_212 = vector.broadcast %mul3A_211 : f32 to vector<16xf32>
        %mul3A_213 = arith.mulf %convert_element_type3A_208, %mul3A_212 : vector<16xf32>
        %add3A_214 = arith.addf %mul3A_210, %mul3A_213 : vector<16xf32>
        %mul3A_215 = arith.constant 5.000000e-01 : f32
        %mul3A_216 = vector.broadcast %mul3A_215 : f32 to vector<16xf32>
        %mul3A_217 = arith.mulf %mul3A_216, %mul3A_173 : vector<16xf32>
        %sub3A_218 = arith.subf %add3A_214, %mul3A_217 : vector<16xf32>
        %add3A_219 = arith.addf %sub3A_172, %sub3A_218 : vector<16xf32>
        %mul3A_220 = arith.constant 0.693359375 : f32
        %mul3A_221 = vector.broadcast %mul3A_220 : f32 to vector<16xf32>
        %mul3A_222 = arith.mulf %convert_element_type3A_208, %mul3A_221 : vector<16xf32>
        %add3A_223 = arith.addf %add3A_219, %mul3A_222 : vector<16xf32>
        %sub3A_224 = arith.constant 1.000000e+00 : f32
        %sub3A_225 = vector.broadcast %sub3A_224 : f32 to vector<16xf32>
        %sub3A_226 = arith.subf %sub3A_225, %div3A_145 : vector<16xf32>
        %add3A_227 = arith.constant 1.000000e-07 : f32
        %add3A_228 = vector.broadcast %add3A_227 : f32 to vector<16xf32>
        %add3A_229 = arith.addf %sub3A_226, %add3A_228 : vector<16xf32>
        %bitcast_convert_type3A_230 = tpu.bitcast %add3A_229 : vector<16xf32> -> vector<16xi32>
        %shift_right_arithmetic3A_231 = arith.constant 23 : i32
        %shift_right_arithmetic3A_232 = vector.broadcast %shift_right_arithmetic3A_231 : i32 to vector<16xi32>
        %shift_right_arithmetic3A_233 = arith.shrsi %bitcast_convert_type3A_230, %shift_right_arithmetic3A_232 : vector<16xi32>
        %and3A_234 = arith.constant 255 : i32
        %and3A_235 = vector.broadcast %and3A_234 : i32 to vector<16xi32>
        %and3A_236 = arith.andi %shift_right_arithmetic3A_233, %and3A_235 : vector<16xi32>
        %sub3A_237 = arith.constant 126 : i32
        %sub3A_238 = vector.broadcast %sub3A_237 : i32 to vector<16xi32>
        %sub3A_239 = arith.subi %and3A_236, %sub3A_238 : vector<16xi32>
        %and3A_240 = arith.constant 8388607 : i32
        %and3A_241 = vector.broadcast %and3A_240 : i32 to vector<16xi32>
        %and3A_242 = arith.andi %bitcast_convert_type3A_230, %and3A_241 : vector<16xi32>
        %or3A_243 = arith.constant 1056964608 : i32
        %or3A_244 = vector.broadcast %or3A_243 : i32 to vector<16xi32>
        %or3A_245 = arith.ori %and3A_242, %or3A_244 : vector<16xi32>
        %bitcast_convert_type3A_246 = tpu.bitcast %or3A_245 : vector<16xi32> -> vector<16xf32>
        %lt3A_247 = arith.constant 0.707106769 : f32
        %lt3A_248 = vector.broadcast %lt3A_247 : f32 to vector<16xf32>
        %lt3A_249 = arith.cmpf olt, %bitcast_convert_type3A_246, %lt3A_248 : vector<16xf32>
        %convert_element_type3A_250 = arith.extui %lt3A_249 : vector<16xi1> to vector<16xi32>
        %sub3A_251 = arith.subi %sub3A_239, %convert_element_type3A_250 : vector<16xi32>
        %add3A_252 = arith.addf %bitcast_convert_type3A_246, %bitcast_convert_type3A_246 : vector<16xf32>
        %select_n3A_253 = arith.select %lt3A_249, %add3A_252, %bitcast_convert_type3A_246 : vector<16xi1>, vector<16xf32>
        %sub3A_254 = arith.constant 1.000000e+00 : f32
        %sub3A_255 = vector.broadcast %sub3A_254 : f32 to vector<16xf32>
        %sub3A_256 = arith.subf %select_n3A_253, %sub3A_255 : vector<16xf32>
        %mul3A_257 = arith.mulf %sub3A_256, %sub3A_256 : vector<16xf32>
        %broadcast_in_dim3A_258 = arith.constant 0.0703768358 : f32
        %broadcast_in_dim3A_259 = vector.broadcast %broadcast_in_dim3A_258 : f32 to vector<16xf32>
        %mul3A_260 = arith.mulf %broadcast_in_dim3A_259, %sub3A_256 : vector<16xf32>
        %add3A_261 = arith.constant -0.115146101 : f32
        %add3A_262 = vector.broadcast %add3A_261 : f32 to vector<16xf32>
        %add3A_263 = arith.addf %mul3A_260, %add3A_262 : vector<16xf32>
        %mul3A_264 = arith.mulf %add3A_263, %sub3A_256 : vector<16xf32>
        %add3A_265 = arith.constant 0.116769984 : f32
        %add3A_266 = vector.broadcast %add3A_265 : f32 to vector<16xf32>
        %add3A_267 = arith.addf %mul3A_264, %add3A_266 : vector<16xf32>
        %mul3A_268 = arith.mulf %add3A_267, %sub3A_256 : vector<16xf32>
        %add3A_269 = arith.constant -0.12420141 : f32
        %add3A_270 = vector.broadcast %add3A_269 : f32 to vector<16xf32>
        %add3A_271 = arith.addf %mul3A_268, %add3A_270 : vector<16xf32>
        %mul3A_272 = arith.mulf %add3A_271, %sub3A_256 : vector<16xf32>
        %add3A_273 = arith.constant 0.142493233 : f32
        %add3A_274 = vector.broadcast %add3A_273 : f32 to vector<16xf32>
        %add3A_275 = arith.addf %mul3A_272, %add3A_274 : vector<16xf32>
        %mul3A_276 = arith.mulf %add3A_275, %sub3A_256 : vector<16xf32>
        %add3A_277 = arith.constant -0.166680574 : f32
        %add3A_278 = vector.broadcast %add3A_277 : f32 to vector<16xf32>
        %add3A_279 = arith.addf %mul3A_276, %add3A_278 : vector<16xf32>
        %mul3A_280 = arith.mulf %add3A_279, %sub3A_256 : vector<16xf32>
        %add3A_281 = arith.constant 0.200007141 : f32
        %add3A_282 = vector.broadcast %add3A_281 : f32 to vector<16xf32>
        %add3A_283 = arith.addf %mul3A_280, %add3A_282 : vector<16xf32>
        %mul3A_284 = arith.mulf %add3A_283, %sub3A_256 : vector<16xf32>
        %add3A_285 = arith.constant -0.24999994 : f32
        %add3A_286 = vector.broadcast %add3A_285 : f32 to vector<16xf32>
        %add3A_287 = arith.addf %mul3A_284, %add3A_286 : vector<16xf32>
        %mul3A_288 = arith.mulf %add3A_287, %sub3A_256 : vector<16xf32>
        %add3A_289 = arith.constant 0.333333313 : f32
        %add3A_290 = vector.broadcast %add3A_289 : f32 to vector<16xf32>
        %add3A_291 = arith.addf %mul3A_288, %add3A_290 : vector<16xf32>
        %convert_element_type3A_292 = arith.sitofp %sub3A_251 : vector<16xi32> to vector<16xf32>
        %mul3A_293 = arith.mulf %add3A_291, %sub3A_256 : vector<16xf32>
        %mul3A_294 = arith.mulf %mul3A_293, %mul3A_257 : vector<16xf32>
        %mul3A_295 = arith.constant -2.12194442E-4 : f32
        %mul3A_296 = vector.broadcast %mul3A_295 : f32 to vector<16xf32>
        %mul3A_297 = arith.mulf %convert_element_type3A_292, %mul3A_296 : vector<16xf32>
        %add3A_298 = arith.addf %mul3A_294, %mul3A_297 : vector<16xf32>
        %mul3A_299 = arith.constant 5.000000e-01 : f32
        %mul3A_300 = vector.broadcast %mul3A_299 : f32 to vector<16xf32>
        %mul3A_301 = arith.mulf %mul3A_300, %mul3A_257 : vector<16xf32>
        %sub3A_302 = arith.subf %add3A_298, %mul3A_301 : vector<16xf32>
        %add3A_303 = arith.addf %sub3A_256, %sub3A_302 : vector<16xf32>
        %mul3A_304 = arith.constant 0.693359375 : f32
        %mul3A_305 = vector.broadcast %mul3A_304 : f32 to vector<16xf32>
        %mul3A_306 = arith.mulf %convert_element_type3A_292, %mul3A_305 : vector<16xf32>
        %add3A_307 = arith.addf %add3A_303, %mul3A_306 : vector<16xf32>
        %sub3A_308 = arith.subf %bitcast_convert_type3A_127, %bitcast_convert_type3A_135 : vector<16xf32>
        %sign3A = tpu.bitcast %sub3A_308 : vector<16xf32> -> vector<16xi32>
        %sign3A_309 = arith.constant -2147483648 : i32
        %sign3A_310 = vector.broadcast %sign3A_309 : i32 to vector<16xi32>
        %sign3A_311 = arith.andi %sign3A, %sign3A_310 : vector<16xi32>
        %sign3A_312 = arith.constant 1065353216 : i32
        %sign3A_313 = vector.broadcast %sign3A_312 : i32 to vector<16xi32>
        %sign3A_314 = arith.ori %sign3A_313, %sign3A_311 : vector<16xi32>
        %sign3A_315 = tpu.bitcast %sign3A_314 : vector<16xi32> -> vector<16xf32>
        %sign3A_316 = math.absf %sub3A_308 : vector<16xf32>
        %sign3A_317 = arith.constant 0.000000e+00 : f32
        %sign3A_318 = vector.broadcast %sign3A_317 : f32 to vector<16xf32>
        %sign3A_319 = arith.cmpf ogt, %sign3A_316, %sign3A_318 : vector<16xf32>
        %sign3A_320 = arith.select %sign3A_319, %sign3A_315, %sub3A_308 : vector<16xi1>, vector<16xf32>
        %add3A_321 = arith.constant 1.000000e+00 : f32
        %add3A_322 = vector.broadcast %add3A_321 : f32 to vector<16xf32>
        %add3A_323 = arith.addf %sign3A_320, %add3A_322 : vector<16xf32>
        %mul3A_324 = arith.constant 5.000000e-01 : f32
        %mul3A_325 = vector.broadcast %mul3A_324 : f32 to vector<16xf32>
        %mul3A_326 = arith.mulf %add3A_323, %mul3A_325 : vector<16xf32>
        %mul3A_327 = arith.mulf %mul3A_326, %add3A_223 : vector<16xf32>
        %sub3A_328 = arith.constant 1.000000e+00 : f32
        %sub3A_329 = vector.broadcast %sub3A_328 : f32 to vector<16xf32>
        %sub3A_330 = arith.subf %sub3A_329, %mul3A_326 : vector<16xf32>
        %mul3A_331 = arith.mulf %sub3A_330, %add3A_307 : vector<16xf32>
        %add3A_332 = arith.addf %mul3A_327, %mul3A_331 : vector<16xf32>
        %neg3A_333 = arith.constant 0.000000e+00 : f32
        %neg3A_334 = vector.broadcast %neg3A_333 : f32 to vector<16xf32>
        %neg3A_335 = arith.subf %neg3A_334, %add3A_332 : vector<16xf32>
        %ne3A = arith.cmpi ne, %get3A_116, %get3A_118 : vector<16xi32>
        %jit3A_336 = arith.constant 0.000000e+00 : f32
        %broadcast_in_dim3A_337 = vector.broadcast %jit3A_336 : f32 to vector<16xf32>
        %select_n3A_338 = arith.select %ne3A, %neg3A_335, %broadcast_in_dim3A_337 : vector<16xi1>, vector<16xf32>
        %add3A_339 = arith.addf %scan3A_112, %select_n3A_338 : vector<16xf32>
        %jit3A_340 = arith.constant 1.000000e+00 : f32
        %jit3A_341 = arith.constant 0.000000e+00 : f32
        %broadcast_in_dim3A_342 = vector.broadcast %jit3A_340 : f32 to vector<16xf32>
        %broadcast_in_dim3A_343 = vector.broadcast %jit3A_341 : f32 to vector<16xf32>
        %select_n3A_344 = arith.select %ne3A, %broadcast_in_dim3A_342, %broadcast_in_dim3A_343 : vector<16xi1>, vector<16xf32>
        %add3A_345 = arith.addf %scan3A_113, %select_n3A_344 : vector<16xf32>
        scf.yield %add3A_339, %add3A_345 : vector<16xf32>, vector<16xf32>
      }
      %scan3A_69 = arith.constant 125 : i32
      %mul3A_70 = vector.broadcast %select_n3A_61 : f32 to vector<16xf32>
      %mul3A_71 = arith.mulf %mul3A_70, %scan3A_68#0 : vector<16xf32>
      %add3A_72 = arith.addf %scan3A_35, %mul3A_71 : vector<16xf32>
      %mul3A_73 = vector.broadcast %select_n3A_61 : f32 to vector<16xf32>
      %mul3A_74 = arith.mulf %mul3A_73, %scan3A_68#1 : vector<16xf32>
      %add3A_75 = arith.addf %scan3A_36, %mul3A_74 : vector<16xf32>
      %add3A_76 = arith.constant 1 : i32
      %add3A_77 = arith.addi %add3A_40, %add3A_76 : i32
      %add3A_78 = arith.constant 1 : i32
      %add3A_79 = arith.addi %add3A_77, %add3A_78 : i32
      %add3A_80 = arith.addi %add3A_4, %add3A_79 : i32
      %min3A_81 = arith.constant 4999 : i32
      %min3A_82 = arith.minsi %add3A_80, %min3A_81 : i32
      %mul3A_83 = arith.constant 2000 : i32
      %mul3A_84 = arith.muli %min3A_82, %mul3A_83 : i32
      "tpu.region"() ({
        %run_scoped3A = tpu.sem_alloc : memref<!tpu.dma_semaphore, #tpu.memory_space<semaphore_mem>>
        %dma_start3A_111 = tpu.memref_slice %arg3[%mul3A_84] : memref<10000000xi32, #tpu.memory_space<hbm>> -> memref<2000xi32, #tpu.memory_space<hbm>>
        %dma_start3A_112 = tpu.memref_slice %arg3[%mul3A_84] : memref<10000000xi32, #tpu.memory_space<hbm>> -> memref<2000xi32, #tpu.memory_space<hbm>>
        tpu.enqueue_dma source(%dma_start3A_112 : memref<2000xi32, #tpu.memory_space<hbm>>) target(%arg6 : memref<2000xi32, #tpu.memory_space<vmem>>) target_semaphore(%run_scoped3A : memref<!tpu.dma_semaphore, #tpu.memory_space<semaphore_mem>>)
        %dma_wait3A_113 = tpu.memref_slice %arg3[%mul3A_84] : memref<10000000xi32, #tpu.memory_space<hbm>> -> memref<2000xi32, #tpu.memory_space<hbm>>
        %dma_wait3A_114 = tpu.memref_slice %arg3[%mul3A_84] : memref<10000000xi32, #tpu.memory_space<hbm>> -> memref<2000xi32, #tpu.memory_space<hbm>>
        tpu.wait_dma2 semaphore(%run_scoped3A : memref<!tpu.dma_semaphore, #tpu.memory_space<semaphore_mem>>) src(%dma_wait3A_114 : memref<2000xi32, #tpu.memory_space<hbm>>) dst(%arg6 : memref<2000xi32, #tpu.memory_space<vmem>>)
        tpu.yield
      }) : () -> ()
      "tpu.region"() ({
        %run_scoped3A = tpu.sem_alloc : memref<!tpu.dma_semaphore, #tpu.memory_space<semaphore_mem>>
        %dma_start3A_111 = tpu.memref_slice %arg4[%mul3A_84] : memref<10000000xi32, #tpu.memory_space<hbm>> -> memref<2000xi32, #tpu.memory_space<hbm>>
        %dma_start3A_112 = tpu.memref_slice %arg4[%mul3A_84] : memref<10000000xi32, #tpu.memory_space<hbm>> -> memref<2000xi32, #tpu.memory_space<hbm>>
        tpu.enqueue_dma source(%dma_start3A_112 : memref<2000xi32, #tpu.memory_space<hbm>>) target(%arg7 : memref<2000xi32, #tpu.memory_space<vmem>>) target_semaphore(%run_scoped3A : memref<!tpu.dma_semaphore, #tpu.memory_space<semaphore_mem>>)
        %dma_wait3A_113 = tpu.memref_slice %arg4[%mul3A_84] : memref<10000000xi32, #tpu.memory_space<hbm>> -> memref<2000xi32, #tpu.memory_space<hbm>>
        %dma_wait3A_114 = tpu.memref_slice %arg4[%mul3A_84] : memref<10000000xi32, #tpu.memory_space<hbm>> -> memref<2000xi32, #tpu.memory_space<hbm>>
        tpu.wait_dma2 semaphore(%run_scoped3A : memref<!tpu.dma_semaphore, #tpu.memory_space<semaphore_mem>>) src(%dma_wait3A_114 : memref<2000xi32, #tpu.memory_space<hbm>>) dst(%arg7 : memref<2000xi32, #tpu.memory_space<vmem>>)
        tpu.yield
      }) : () -> ()
      %dma_start3A_85 = arith.constant 0 : i32
      %dma_start3A_86 = tpu.memref_slice %arg2[%dma_start3A_85] : memref<1000000xi32, #tpu.memory_space<hbm>> -> memref<1000000xi32, #tpu.memory_space<hbm>>
      tpu.enqueue_indirect_dma source(%dma_start3A_86 : memref<1000000xi32, #tpu.memory_space<hbm>>) target(%arg8 : memref<2000xi32, #tpu.memory_space<vmem>>) offsets(%arg6 : memref<2000xi32, #tpu.memory_space<vmem>>) semaphore(%arg15 : memref<!tpu.dma_semaphore, #tpu.memory_space<semaphore_mem>>)
      %dma_start3A_87 = arith.constant 0 : i32
      %dma_start3A_88 = tpu.memref_slice %arg2[%dma_start3A_87] : memref<1000000xi32, #tpu.memory_space<hbm>> -> memref<1000000xi32, #tpu.memory_space<hbm>>
      tpu.enqueue_indirect_dma source(%dma_start3A_88 : memref<1000000xi32, #tpu.memory_space<hbm>>) target(%arg9 : memref<2000xi32, #tpu.memory_space<vmem>>) offsets(%arg7 : memref<2000xi32, #tpu.memory_space<vmem>>) semaphore(%arg15 : memref<!tpu.dma_semaphore, #tpu.memory_space<semaphore_mem>>)
      %dma_wait3A_89 = arith.constant 0 : i32
      %dma_wait3A_90 = tpu.memref_slice %arg2[%dma_wait3A_89] : memref<1000000xi32, #tpu.memory_space<hbm>> -> memref<1000000xi32, #tpu.memory_space<hbm>>
      tpu.wait_indirect_dma semaphore(%arg16 : memref<!tpu.dma_semaphore, #tpu.memory_space<semaphore_mem>>) src(%dma_wait3A_90 : memref<1000000xi32, #tpu.memory_space<hbm>>) dst(%arg12 : memref<2000xi32, #tpu.memory_space<vmem>>)
      %dma_wait3A_91 = arith.constant 0 : i32
      %dma_wait3A_92 = tpu.memref_slice %arg2[%dma_wait3A_91] : memref<1000000xi32, #tpu.memory_space<hbm>> -> memref<1000000xi32, #tpu.memory_space<hbm>>
      tpu.wait_indirect_dma semaphore(%arg16 : memref<!tpu.dma_semaphore, #tpu.memory_space<semaphore_mem>>) src(%dma_wait3A_92 : memref<1000000xi32, #tpu.memory_space<hbm>>) dst(%arg13 : memref<2000xi32, #tpu.memory_space<vmem>>)
      %lt3A_93 = arith.cmpi slt, %add3A_77, %add3A_8 : i32
      %jit3A_94 = arith.constant 1.000000e+00 : f32
      %jit3A_95 = arith.constant 0.000000e+00 : f32
      %select_n3A_96 = arith.select %lt3A_93, %jit3A_94, %jit3A_95 : f32
      %broadcast_in_dim3A_97 = arith.constant 0.000000e+00 : f32
      %broadcast_in_dim3A_98 = vector.broadcast %broadcast_in_dim3A_97 : f32 to vector<16xf32>
      %scan3A_99 = arith.constant 0 : i32
      %scan3A_100 = arith.constant 125 : i32
      %scan3A_101 = arith.addi %scan3A_99, %scan3A_100 : i32
      %scan3A_102 = arith.constant 1 : i32
      %scan3A_103:2 = scf.for %scan3A_111 = %scan3A_99 to %scan3A_101 step %scan3A_102 iter_args(%scan3A_112 = %broadcast_in_dim3A_98, %scan3A_113 = %broadcast_in_dim3A_98) -> (vector<16xf32>, vector<16xf32>)  : i32 {
        %mul3A_114 = arith.constant 16 : i32
        %mul3A_115 = arith.muli %scan3A_111, %mul3A_114 : i32
        %get3A = arith.index_cast %mul3A_115 : i32 to index
        %get3A_116 = tpu.vector_load %arg10[%get3A] {strides = array<i32>} : memref<2000xi32, #tpu.memory_space<vmem>>, vector<16xi32>,
        %get3A_117 = arith.index_cast %mul3A_115 : i32 to index
        %get3A_118 = tpu.vector_load %arg11[%get3A_117] {strides = array<i32>} : memref<2000xi32, #tpu.memory_space<vmem>>, vector<16xi32>,
        %get3A_119 = arith.index_cast %mul3A_115 : i32 to index
        %get3A_120 = tpu.vector_load %arg12[%get3A_119] {strides = array<i32>} : memref<2000xi32, #tpu.memory_space<vmem>>, vector<16xi32>,
        %get3A_121 = arith.index_cast %mul3A_115 : i32 to index
        %get3A_122 = tpu.vector_load %arg13[%get3A_121] {strides = array<i32>} : memref<2000xi32, #tpu.memory_space<vmem>>, vector<16xi32>,
        %and3A = arith.constant -65536 : i32
        %and3A_123 = vector.broadcast %and3A : i32 to vector<16xi32>
        %and3A_124 = arith.andi %get3A_120, %and3A_123 : vector<16xi32>
        %bitcast_convert_type3A = tpu.bitcast %and3A_124 : vector<16xi32> -> vector<16xf32>
        %shift_left3A = arith.constant 16 : i32
        %shift_left3A_125 = vector.broadcast %shift_left3A : i32 to vector<16xi32>
        %shift_left3A_126 = arith.shli %get3A_120, %shift_left3A_125 : vector<16xi32>
        %bitcast_convert_type3A_127 = tpu.bitcast %shift_left3A_126 : vector<16xi32> -> vector<16xf32>
        %and3A_128 = arith.constant -65536 : i32
        %and3A_129 = vector.broadcast %and3A_128 : i32 to vector<16xi32>
        %and3A_130 = arith.andi %get3A_122, %and3A_129 : vector<16xi32>
        %bitcast_convert_type3A_131 = tpu.bitcast %and3A_130 : vector<16xi32> -> vector<16xf32>
        %shift_left3A_132 = arith.constant 16 : i32
        %shift_left3A_133 = vector.broadcast %shift_left3A_132 : i32 to vector<16xi32>
        %shift_left3A_134 = arith.shli %get3A_122, %shift_left3A_133 : vector<16xi32>
        %bitcast_convert_type3A_135 = tpu.bitcast %shift_left3A_134 : vector<16xi32> -> vector<16xf32>
        %sub3A = arith.subf %bitcast_convert_type3A, %bitcast_convert_type3A_131 : vector<16xf32>
        %mul3A_136 = arith.constant 1.000000e+00 : f32
        %mul3A_137 = vector.broadcast %mul3A_136 : f32 to vector<16xf32>
        %mul3A_138 = arith.mulf %mul3A_137, %sub3A : vector<16xf32>
        %neg3A = arith.constant 0.000000e+00 : f32
        %neg3A_139 = vector.broadcast %neg3A : f32 to vector<16xf32>
        %neg3A_140 = arith.subf %neg3A_139, %mul3A_138 : vector<16xf32>
        %exp3A = math.exp %neg3A_140 : vector<16xf32>
        %add3A_141 = arith.constant 1.000000e+00 : f32
        %add3A_142 = vector.broadcast %add3A_141 : f32 to vector<16xf32>
        %add3A_143 = arith.addf %add3A_142, %exp3A : vector<16xf32>
        %div3A = arith.constant 1.000000e+00 : f32
        %div3A_144 = vector.broadcast %div3A : f32 to vector<16xf32>
        %div3A_145 = arith.divf %div3A_144, %add3A_143 : vector<16xf32>
        %add3A_146 = arith.constant 1.000000e-07 : f32
        %add3A_147 = vector.broadcast %add3A_146 : f32 to vector<16xf32>
        %add3A_148 = arith.addf %div3A_145, %add3A_147 : vector<16xf32>
        %bitcast_convert_type3A_149 = tpu.bitcast %add3A_148 : vector<16xf32> -> vector<16xi32>
        %shift_right_arithmetic3A = arith.constant 23 : i32
        %shift_right_arithmetic3A_150 = vector.broadcast %shift_right_arithmetic3A : i32 to vector<16xi32>
        %shift_right_arithmetic3A_151 = arith.shrsi %bitcast_convert_type3A_149, %shift_right_arithmetic3A_150 : vector<16xi32>
        %and3A_152 = arith.constant 255 : i32
        %and3A_153 = vector.broadcast %and3A_152 : i32 to vector<16xi32>
        %and3A_154 = arith.andi %shift_right_arithmetic3A_151, %and3A_153 : vector<16xi32>
        %sub3A_155 = arith.constant 126 : i32
        %sub3A_156 = vector.broadcast %sub3A_155 : i32 to vector<16xi32>
        %sub3A_157 = arith.subi %and3A_154, %sub3A_156 : vector<16xi32>
        %and3A_158 = arith.constant 8388607 : i32
        %and3A_159 = vector.broadcast %and3A_158 : i32 to vector<16xi32>
        %and3A_160 = arith.andi %bitcast_convert_type3A_149, %and3A_159 : vector<16xi32>
        %or3A = arith.constant 1056964608 : i32
        %or3A_161 = vector.broadcast %or3A : i32 to vector<16xi32>
        %or3A_162 = arith.ori %and3A_160, %or3A_161 : vector<16xi32>
        %bitcast_convert_type3A_163 = tpu.bitcast %or3A_162 : vector<16xi32> -> vector<16xf32>
        %lt3A_164 = arith.constant 0.707106769 : f32
        %lt3A_165 = vector.broadcast %lt3A_164 : f32 to vector<16xf32>
        %lt3A_166 = arith.cmpf olt, %bitcast_convert_type3A_163, %lt3A_165 : vector<16xf32>
        %convert_element_type3A = arith.extui %lt3A_166 : vector<16xi1> to vector<16xi32>
        %sub3A_167 = arith.subi %sub3A_157, %convert_element_type3A : vector<16xi32>
        %add3A_168 = arith.addf %bitcast_convert_type3A_163, %bitcast_convert_type3A_163 : vector<16xf32>
        %select_n3A_169 = arith.select %lt3A_166, %add3A_168, %bitcast_convert_type3A_163 : vector<16xi1>, vector<16xf32>
        %sub3A_170 = arith.constant 1.000000e+00 : f32
        %sub3A_171 = vector.broadcast %sub3A_170 : f32 to vector<16xf32>
        %sub3A_172 = arith.subf %select_n3A_169, %sub3A_171 : vector<16xf32>
        %mul3A_173 = arith.mulf %sub3A_172, %sub3A_172 : vector<16xf32>
        %broadcast_in_dim3A_174 = arith.constant 0.0703768358 : f32
        %broadcast_in_dim3A_175 = vector.broadcast %broadcast_in_dim3A_174 : f32 to vector<16xf32>
        %mul3A_176 = arith.mulf %broadcast_in_dim3A_175, %sub3A_172 : vector<16xf32>
        %add3A_177 = arith.constant -0.115146101 : f32
        %add3A_178 = vector.broadcast %add3A_177 : f32 to vector<16xf32>
        %add3A_179 = arith.addf %mul3A_176, %add3A_178 : vector<16xf32>
        %mul3A_180 = arith.mulf %add3A_179, %sub3A_172 : vector<16xf32>
        %add3A_181 = arith.constant 0.116769984 : f32
        %add3A_182 = vector.broadcast %add3A_181 : f32 to vector<16xf32>
        %add3A_183 = arith.addf %mul3A_180, %add3A_182 : vector<16xf32>
        %mul3A_184 = arith.mulf %add3A_183, %sub3A_172 : vector<16xf32>
        %add3A_185 = arith.constant -0.12420141 : f32
        %add3A_186 = vector.broadcast %add3A_185 : f32 to vector<16xf32>
        %add3A_187 = arith.addf %mul3A_184, %add3A_186 : vector<16xf32>
        %mul3A_188 = arith.mulf %add3A_187, %sub3A_172 : vector<16xf32>
        %add3A_189 = arith.constant 0.142493233 : f32
        %add3A_190 = vector.broadcast %add3A_189 : f32 to vector<16xf32>
        %add3A_191 = arith.addf %mul3A_188, %add3A_190 : vector<16xf32>
        %mul3A_192 = arith.mulf %add3A_191, %sub3A_172 : vector<16xf32>
        %add3A_193 = arith.constant -0.166680574 : f32
        %add3A_194 = vector.broadcast %add3A_193 : f32 to vector<16xf32>
        %add3A_195 = arith.addf %mul3A_192, %add3A_194 : vector<16xf32>
        %mul3A_196 = arith.mulf %add3A_195, %sub3A_172 : vector<16xf32>
        %add3A_197 = arith.constant 0.200007141 : f32
        %add3A_198 = vector.broadcast %add3A_197 : f32 to vector<16xf32>
        %add3A_199 = arith.addf %mul3A_196, %add3A_198 : vector<16xf32>
        %mul3A_200 = arith.mulf %add3A_199, %sub3A_172 : vector<16xf32>
        %add3A_201 = arith.constant -0.24999994 : f32
        %add3A_202 = vector.broadcast %add3A_201 : f32 to vector<16xf32>
        %add3A_203 = arith.addf %mul3A_200, %add3A_202 : vector<16xf32>
        %mul3A_204 = arith.mulf %add3A_203, %sub3A_172 : vector<16xf32>
        %add3A_205 = arith.constant 0.333333313 : f32
        %add3A_206 = vector.broadcast %add3A_205 : f32 to vector<16xf32>
        %add3A_207 = arith.addf %mul3A_204, %add3A_206 : vector<16xf32>
        %convert_element_type3A_208 = arith.sitofp %sub3A_167 : vector<16xi32> to vector<16xf32>
        %mul3A_209 = arith.mulf %add3A_207, %sub3A_172 : vector<16xf32>
        %mul3A_210 = arith.mulf %mul3A_209, %mul3A_173 : vector<16xf32>
        %mul3A_211 = arith.constant -2.12194442E-4 : f32
        %mul3A_212 = vector.broadcast %mul3A_211 : f32 to vector<16xf32>
        %mul3A_213 = arith.mulf %convert_element_type3A_208, %mul3A_212 : vector<16xf32>
        %add3A_214 = arith.addf %mul3A_210, %mul3A_213 : vector<16xf32>
        %mul3A_215 = arith.constant 5.000000e-01 : f32
        %mul3A_216 = vector.broadcast %mul3A_215 : f32 to vector<16xf32>
        %mul3A_217 = arith.mulf %mul3A_216, %mul3A_173 : vector<16xf32>
        %sub3A_218 = arith.subf %add3A_214, %mul3A_217 : vector<16xf32>
        %add3A_219 = arith.addf %sub3A_172, %sub3A_218 : vector<16xf32>
        %mul3A_220 = arith.constant 0.693359375 : f32
        %mul3A_221 = vector.broadcast %mul3A_220 : f32 to vector<16xf32>
        %mul3A_222 = arith.mulf %convert_element_type3A_208, %mul3A_221 : vector<16xf32>
        %add3A_223 = arith.addf %add3A_219, %mul3A_222 : vector<16xf32>
        %sub3A_224 = arith.constant 1.000000e+00 : f32
        %sub3A_225 = vector.broadcast %sub3A_224 : f32 to vector<16xf32>
        %sub3A_226 = arith.subf %sub3A_225, %div3A_145 : vector<16xf32>
        %add3A_227 = arith.constant 1.000000e-07 : f32
        %add3A_228 = vector.broadcast %add3A_227 : f32 to vector<16xf32>
        %add3A_229 = arith.addf %sub3A_226, %add3A_228 : vector<16xf32>
        %bitcast_convert_type3A_230 = tpu.bitcast %add3A_229 : vector<16xf32> -> vector<16xi32>
        %shift_right_arithmetic3A_231 = arith.constant 23 : i32
        %shift_right_arithmetic3A_232 = vector.broadcast %shift_right_arithmetic3A_231 : i32 to vector<16xi32>
        %shift_right_arithmetic3A_233 = arith.shrsi %bitcast_convert_type3A_230, %shift_right_arithmetic3A_232 : vector<16xi32>
        %and3A_234 = arith.constant 255 : i32
        %and3A_235 = vector.broadcast %and3A_234 : i32 to vector<16xi32>
        %and3A_236 = arith.andi %shift_right_arithmetic3A_233, %and3A_235 : vector<16xi32>
        %sub3A_237 = arith.constant 126 : i32
        %sub3A_238 = vector.broadcast %sub3A_237 : i32 to vector<16xi32>
        %sub3A_239 = arith.subi %and3A_236, %sub3A_238 : vector<16xi32>
        %and3A_240 = arith.constant 8388607 : i32
        %and3A_241 = vector.broadcast %and3A_240 : i32 to vector<16xi32>
        %and3A_242 = arith.andi %bitcast_convert_type3A_230, %and3A_241 : vector<16xi32>
        %or3A_243 = arith.constant 1056964608 : i32
        %or3A_244 = vector.broadcast %or3A_243 : i32 to vector<16xi32>
        %or3A_245 = arith.ori %and3A_242, %or3A_244 : vector<16xi32>
        %bitcast_convert_type3A_246 = tpu.bitcast %or3A_245 : vector<16xi32> -> vector<16xf32>
        %lt3A_247 = arith.constant 0.707106769 : f32
        %lt3A_248 = vector.broadcast %lt3A_247 : f32 to vector<16xf32>
        %lt3A_249 = arith.cmpf olt, %bitcast_convert_type3A_246, %lt3A_248 : vector<16xf32>
        %convert_element_type3A_250 = arith.extui %lt3A_249 : vector<16xi1> to vector<16xi32>
        %sub3A_251 = arith.subi %sub3A_239, %convert_element_type3A_250 : vector<16xi32>
        %add3A_252 = arith.addf %bitcast_convert_type3A_246, %bitcast_convert_type3A_246 : vector<16xf32>
        %select_n3A_253 = arith.select %lt3A_249, %add3A_252, %bitcast_convert_type3A_246 : vector<16xi1>, vector<16xf32>
        %sub3A_254 = arith.constant 1.000000e+00 : f32
        %sub3A_255 = vector.broadcast %sub3A_254 : f32 to vector<16xf32>
        %sub3A_256 = arith.subf %select_n3A_253, %sub3A_255 : vector<16xf32>
        %mul3A_257 = arith.mulf %sub3A_256, %sub3A_256 : vector<16xf32>
        %broadcast_in_dim3A_258 = arith.constant 0.0703768358 : f32
        %broadcast_in_dim3A_259 = vector.broadcast %broadcast_in_dim3A_258 : f32 to vector<16xf32>
        %mul3A_260 = arith.mulf %broadcast_in_dim3A_259, %sub3A_256 : vector<16xf32>
        %add3A_261 = arith.constant -0.115146101 : f32
        %add3A_262 = vector.broadcast %add3A_261 : f32 to vector<16xf32>
        %add3A_263 = arith.addf %mul3A_260, %add3A_262 : vector<16xf32>
        %mul3A_264 = arith.mulf %add3A_263, %sub3A_256 : vector<16xf32>
        %add3A_265 = arith.constant 0.116769984 : f32
        %add3A_266 = vector.broadcast %add3A_265 : f32 to vector<16xf32>
        %add3A_267 = arith.addf %mul3A_264, %add3A_266 : vector<16xf32>
        %mul3A_268 = arith.mulf %add3A_267, %sub3A_256 : vector<16xf32>
        %add3A_269 = arith.constant -0.12420141 : f32
        %add3A_270 = vector.broadcast %add3A_269 : f32 to vector<16xf32>
        %add3A_271 = arith.addf %mul3A_268, %add3A_270 : vector<16xf32>
        %mul3A_272 = arith.mulf %add3A_271, %sub3A_256 : vector<16xf32>
        %add3A_273 = arith.constant 0.142493233 : f32
        %add3A_274 = vector.broadcast %add3A_273 : f32 to vector<16xf32>
        %add3A_275 = arith.addf %mul3A_272, %add3A_274 : vector<16xf32>
        %mul3A_276 = arith.mulf %add3A_275, %sub3A_256 : vector<16xf32>
        %add3A_277 = arith.constant -0.166680574 : f32
        %add3A_278 = vector.broadcast %add3A_277 : f32 to vector<16xf32>
        %add3A_279 = arith.addf %mul3A_276, %add3A_278 : vector<16xf32>
        %mul3A_280 = arith.mulf %add3A_279, %sub3A_256 : vector<16xf32>
        %add3A_281 = arith.constant 0.200007141 : f32
        %add3A_282 = vector.broadcast %add3A_281 : f32 to vector<16xf32>
        %add3A_283 = arith.addf %mul3A_280, %add3A_282 : vector<16xf32>
        %mul3A_284 = arith.mulf %add3A_283, %sub3A_256 : vector<16xf32>
        %add3A_285 = arith.constant -0.24999994 : f32
        %add3A_286 = vector.broadcast %add3A_285 : f32 to vector<16xf32>
        %add3A_287 = arith.addf %mul3A_284, %add3A_286 : vector<16xf32>
        %mul3A_288 = arith.mulf %add3A_287, %sub3A_256 : vector<16xf32>
        %add3A_289 = arith.constant 0.333333313 : f32
        %add3A_290 = vector.broadcast %add3A_289 : f32 to vector<16xf32>
        %add3A_291 = arith.addf %mul3A_288, %add3A_290 : vector<16xf32>
        %convert_element_type3A_292 = arith.sitofp %sub3A_251 : vector<16xi32> to vector<16xf32>
        %mul3A_293 = arith.mulf %add3A_291, %sub3A_256 : vector<16xf32>
        %mul3A_294 = arith.mulf %mul3A_293, %mul3A_257 : vector<16xf32>
        %mul3A_295 = arith.constant -2.12194442E-4 : f32
        %mul3A_296 = vector.broadcast %mul3A_295 : f32 to vector<16xf32>
        %mul3A_297 = arith.mulf %convert_element_type3A_292, %mul3A_296 : vector<16xf32>
        %add3A_298 = arith.addf %mul3A_294, %mul3A_297 : vector<16xf32>
        %mul3A_299 = arith.constant 5.000000e-01 : f32
        %mul3A_300 = vector.broadcast %mul3A_299 : f32 to vector<16xf32>
        %mul3A_301 = arith.mulf %mul3A_300, %mul3A_257 : vector<16xf32>
        %sub3A_302 = arith.subf %add3A_298, %mul3A_301 : vector<16xf32>
        %add3A_303 = arith.addf %sub3A_256, %sub3A_302 : vector<16xf32>
        %mul3A_304 = arith.constant 0.693359375 : f32
        %mul3A_305 = vector.broadcast %mul3A_304 : f32 to vector<16xf32>
        %mul3A_306 = arith.mulf %convert_element_type3A_292, %mul3A_305 : vector<16xf32>
        %add3A_307 = arith.addf %add3A_303, %mul3A_306 : vector<16xf32>
        %sub3A_308 = arith.subf %bitcast_convert_type3A_127, %bitcast_convert_type3A_135 : vector<16xf32>
        %sign3A = tpu.bitcast %sub3A_308 : vector<16xf32> -> vector<16xi32>
        %sign3A_309 = arith.constant -2147483648 : i32
        %sign3A_310 = vector.broadcast %sign3A_309 : i32 to vector<16xi32>
        %sign3A_311 = arith.andi %sign3A, %sign3A_310 : vector<16xi32>
        %sign3A_312 = arith.constant 1065353216 : i32
        %sign3A_313 = vector.broadcast %sign3A_312 : i32 to vector<16xi32>
        %sign3A_314 = arith.ori %sign3A_313, %sign3A_311 : vector<16xi32>
        %sign3A_315 = tpu.bitcast %sign3A_314 : vector<16xi32> -> vector<16xf32>
        %sign3A_316 = math.absf %sub3A_308 : vector<16xf32>
        %sign3A_317 = arith.constant 0.000000e+00 : f32
        %sign3A_318 = vector.broadcast %sign3A_317 : f32 to vector<16xf32>
        %sign3A_319 = arith.cmpf ogt, %sign3A_316, %sign3A_318 : vector<16xf32>
        %sign3A_320 = arith.select %sign3A_319, %sign3A_315, %sub3A_308 : vector<16xi1>, vector<16xf32>
        %add3A_321 = arith.constant 1.000000e+00 : f32
        %add3A_322 = vector.broadcast %add3A_321 : f32 to vector<16xf32>
        %add3A_323 = arith.addf %sign3A_320, %add3A_322 : vector<16xf32>
        %mul3A_324 = arith.constant 5.000000e-01 : f32
        %mul3A_325 = vector.broadcast %mul3A_324 : f32 to vector<16xf32>
        %mul3A_326 = arith.mulf %add3A_323, %mul3A_325 : vector<16xf32>
        %mul3A_327 = arith.mulf %mul3A_326, %add3A_223 : vector<16xf32>
        %sub3A_328 = arith.constant 1.000000e+00 : f32
        %sub3A_329 = vector.broadcast %sub3A_328 : f32 to vector<16xf32>
        %sub3A_330 = arith.subf %sub3A_329, %mul3A_326 : vector<16xf32>
        %mul3A_331 = arith.mulf %sub3A_330, %add3A_307 : vector<16xf32>
        %add3A_332 = arith.addf %mul3A_327, %mul3A_331 : vector<16xf32>
        %neg3A_333 = arith.constant 0.000000e+00 : f32
        %neg3A_334 = vector.broadcast %neg3A_333 : f32 to vector<16xf32>
        %neg3A_335 = arith.subf %neg3A_334, %add3A_332 : vector<16xf32>
        %ne3A = arith.cmpi ne, %get3A_116, %get3A_118 : vector<16xi32>
        %jit3A_336 = arith.constant 0.000000e+00 : f32
        %broadcast_in_dim3A_337 = vector.broadcast %jit3A_336 : f32 to vector<16xf32>
        %select_n3A_338 = arith.select %ne3A, %neg3A_335, %broadcast_in_dim3A_337 : vector<16xi1>, vector<16xf32>
        %add3A_339 = arith.addf %scan3A_112, %select_n3A_338 : vector<16xf32>
        %jit3A_340 = arith.constant 1.000000e+00 : f32
        %jit3A_341 = arith.constant 0.000000e+00 : f32
        %broadcast_in_dim3A_342 = vector.broadcast %jit3A_340 : f32 to vector<16xf32>
        %broadcast_in_dim3A_343 = vector.broadcast %jit3A_341 : f32 to vector<16xf32>
        %select_n3A_344 = arith.select %ne3A, %broadcast_in_dim3A_342, %broadcast_in_dim3A_343 : vector<16xi1>, vector<16xf32>
        %add3A_345 = arith.addf %scan3A_113, %select_n3A_344 : vector<16xf32>
        scf.yield %add3A_339, %add3A_345 : vector<16xf32>, vector<16xf32>
      }
      %scan3A_104 = arith.constant 125 : i32
      %mul3A_105 = vector.broadcast %select_n3A_96 : f32 to vector<16xf32>
      %mul3A_106 = arith.mulf %mul3A_105, %scan3A_103#0 : vector<16xf32>
      %add3A_107 = arith.addf %add3A_72, %mul3A_106 : vector<16xf32>
      %mul3A_108 = vector.broadcast %select_n3A_96 : f32 to vector<16xf32>
      %mul3A_109 = arith.mulf %mul3A_108, %scan3A_103#1 : vector<16xf32>
      %add3A_110 = arith.addf %add3A_75, %mul3A_109 : vector<16xf32>
      scf.yield %add3A_107, %add3A_110 : vector<16xf32>, vector<16xf32>
    }
    %scan3A_23 = arith.constant 79 : i32
    %dma_wait3A = arith.constant 0 : i32
    %dma_wait3A_24 = tpu.memref_slice %arg2[%dma_wait3A] : memref<1000000xi32, #tpu.memory_space<hbm>> -> memref<1000000xi32, #tpu.memory_space<hbm>>
    tpu.wait_indirect_dma semaphore(%arg15 : memref<!tpu.dma_semaphore, #tpu.memory_space<semaphore_mem>>) src(%dma_wait3A_24 : memref<1000000xi32, #tpu.memory_space<hbm>>) dst(%arg8 : memref<2000xi32, #tpu.memory_space<vmem>>)
    %dma_wait3A_25 = arith.constant 0 : i32
    %dma_wait3A_26 = tpu.memref_slice %arg2[%dma_wait3A_25] : memref<1000000xi32, #tpu.memory_space<hbm>> -> memref<1000000xi32, #tpu.memory_space<hbm>>
    tpu.wait_indirect_dma semaphore(%arg15 : memref<!tpu.dma_semaphore, #tpu.memory_space<semaphore_mem>>) src(%dma_wait3A_26 : memref<1000000xi32, #tpu.memory_space<hbm>>) dst(%arg9 : memref<2000xi32, #tpu.memory_space<vmem>>)
    %swap3A = arith.constant 0 : i32
    %swap3A_27 = arith.index_cast %swap3A : i32 to index
    %swap3A_28 = arith.constant 0 : index
    %swap3A_29 = tpu.vector_load %arg14[%swap3A_27, %swap3A_28] {strides = array<i32>} : memref<2x16xf32, #tpu.memory_space<vmem>>, vector<16xf32>,
    tpu.vector_store %arg14[%swap3A_27, %swap3A_28], %scan3A_22#0 {strides = array<i32>} : memref<2x16xf32, #tpu.memory_space<vmem>>, vector<16xf32>,
    %swap3A_30 = arith.constant 1 : i32
    %swap3A_31 = arith.index_cast %swap3A_30 : i32 to index
    %swap3A_32 = arith.constant 0 : index
    %swap3A_33 = tpu.vector_load %arg14[%swap3A_31, %swap3A_32] {strides = array<i32>} : memref<2x16xf32, #tpu.memory_space<vmem>>, vector<16xf32>,
    tpu.vector_store %arg14[%swap3A_31, %swap3A_32], %scan3A_22#1 {strides = array<i32>} : memref<2x16xf32, #tpu.memory_space<vmem>>, vector<16xf32>,
    "tpu.region"() ({
      %run_scoped3A = tpu.sem_alloc : memref<!tpu.dma_semaphore, #tpu.memory_space<semaphore_mem>>
      %dma_start3A_34 = arith.constant 0 : i32
      %dma_start3A_35 = arith.constant 0 : i32
      %dma_start3A_36 = tpu.memref_slice %arg5[%add3A, %dma_start3A_34, %dma_start3A_35] : memref<32x2x16xf32, #tpu.memory_space<hbm>> -> memref<1x2x16xf32, #tpu.memory_space<hbm>>
      %dma_start3A_37 = tpu.memref_squeeze %dma_start3A_36 : memref<1x2x16xf32, #tpu.memory_space<hbm>> -> memref<2x16xf32, #tpu.memory_space<hbm>>
      %dma_start3A_38 = arith.constant 0 : i32
      %dma_start3A_39 = arith.constant 0 : i32
      %dma_start3A_40 = tpu.memref_slice %arg5[%add3A, %dma_start3A_38, %dma_start3A_39] : memref<32x2x16xf32, #tpu.memory_space<hbm>> -> memref<1x2x16xf32, #tpu.memory_space<hbm>>
      %dma_start3A_41 = tpu.memref_squeeze %dma_start3A_40 : memref<1x2x16xf32, #tpu.memory_space<hbm>> -> memref<2x16xf32, #tpu.memory_space<hbm>>
      tpu.enqueue_dma source(%arg14 : memref<2x16xf32, #tpu.memory_space<vmem>>) target(%dma_start3A_41 : memref<2x16xf32, #tpu.memory_space<hbm>>) target_semaphore(%run_scoped3A : memref<!tpu.dma_semaphore, #tpu.memory_space<semaphore_mem>>)
      %dma_wait3A_42 = arith.constant 0 : i32
      %dma_wait3A_43 = arith.constant 0 : i32
      %dma_wait3A_44 = tpu.memref_slice %arg5[%add3A, %dma_wait3A_42, %dma_wait3A_43] : memref<32x2x16xf32, #tpu.memory_space<hbm>> -> memref<1x2x16xf32, #tpu.memory_space<hbm>>
      %dma_wait3A_45 = tpu.memref_squeeze %dma_wait3A_44 : memref<1x2x16xf32, #tpu.memory_space<hbm>> -> memref<2x16xf32, #tpu.memory_space<hbm>>
      %dma_wait3A_46 = arith.constant 0 : i32
      %dma_wait3A_47 = arith.constant 0 : i32
      %dma_wait3A_48 = tpu.memref_slice %arg5[%add3A, %dma_wait3A_46, %dma_wait3A_47] : memref<32x2x16xf32, #tpu.memory_space<hbm>> -> memref<1x2x16xf32, #tpu.memory_space<hbm>>
      %dma_wait3A_49 = tpu.memref_squeeze %dma_wait3A_48 : memref<1x2x16xf32, #tpu.memory_space<hbm>> -> memref<2x16xf32, #tpu.memory_space<hbm>>
      tpu.wait_dma2 semaphore(%run_scoped3A : memref<!tpu.dma_semaphore, #tpu.memory_space<semaphore_mem>>) src(%arg14 : memref<2x16xf32, #tpu.memory_space<vmem>>) dst(%dma_wait3A_49 : memref<2x16xf32, #tpu.memory_space<hbm>>)
      tpu.yield
    }) : () -> ()
    return
  }
}

</mosaic_0001>

<sc_bundles>
// kernel: kernel.3.cloned.1.call-start
scs
__scs_entry_jumppad:
0x0: {  	(pc) =	sbr.rel $0x88, $3  }
0x1: {  	(tag) =	ssettag $0x0;
	lr =	simm.s32 $0x1  }
0x2: {  	[smem:$0x3F9D] =	sst lr;
	_ =	strace $0xD0000000  }
0x3: {  	_ = 	snop  }
0x4: {  	_ = 	snop  }
0x5: {  	_ = 	snop  }
0x6: {  	_ = 	snop  }
0x7: {  	_ = 	snop  }
__scs_overlays_trampoline_lowered:
0x8: {  	[smem:$0x3FAC] =	sst s0  }
0x9: {  	[smem:$0x3FAD] =	sst s1  }
0xa: {  	[smem:$0x3FAE] =	sst s2  }
0xb: {  	[smem:$0x3FAF] =	sst s3  }
0xc: {  	[smem:$0x3FB0] =	sst s4  }
0xd: {  	[smem:$0x3FB1] =	sst s5  }
0xe: {  	[smem:$0x3FB2] =	sst s6  }
0xf: {  	[smem:$0x3FB3] =	sst s7  }
0x10: {  	[smem:$0x3FB4] =	sst s8  }
0x11: {  	[smem:$0x3FB5] =	sst s9;
	s0 =	simm.s32 @!p0 $0x0  }
0x12: {  	s1 =	sld [smem:$0x3F9B];
	s0 =	simm.s32 @p0 $0x1  }
0x13: {  	[smem:$0x3FB6] =	sst s0;
	s0 =	simm.s32 @!p1 $0x0  }
0x14: {  	s2 =	sld [smem:$0x3F9A];
	s0 =	simm.s32 @p1 $0x1  }
0x15: {  	[smem:$0x3FB7] =	sst s0;
	s0 =	simm.s32 @!p2 $0x0  }
0x16: {  	s3 =	sld [smem:$0x3FDB];
	s0 =	simm.s32 @p2 $0x1  }
0x17: {  	s4 =	simm.s32 $0x1BF5;
	[smem:$0x3FB9] =	sst s0  }
0x18: {  	s0 =	sld [smem:$0x3F9C];
	_ =	swait.ge [sflag:s4], $0x0  }
0x19: {  	s7 =	sld [smem:$0x3F9D]  }
0x1a: {  	s8 =	sadd.s32 $0xFFFFE003, lr  }
0x1b: {  	s9 =	sadd.s32 $0xFFFFFEF7, lr;
	s5 =	simm.s32 $0xFFFFFFFF;
	p2 =	slt.u32 s8, $0xFFFFF086  }
0x1c: {  	p1 =	slt.u32 s9, $0xF7A;
	s5 =	simm.s32 @!p2 $0x0  }
0x1d: {  	s5 =	simm.s32 @p1 $0x1;
	p0 =	seq.s32 s7, s2  }
0x1e: {  	s7 =	smul.u32 @!p0 $0xF7A, s2;
	p2 =	seq.s32 @!p0 s5, $0x0  }
0x1f: {  	s9 =	smul.u32 $0xF7A, s1;
	s8 =	simm.s32 @!p0 $0x1BF5;
	p2 =	por !p2, p0  }
0x20: {  	[sflag:s8] =	ssyncset.s32 @!p0 $0xFFFFF086;
	s6 =	sadd.s32 @!p0 s3, s7;
	s7 =	simm.s32 @!p0 $0x108  }
0x21: {  	s3 =	sadd.s32 s3, s9;
	s6 =	sadd.s32 @!p0 $0x88, s6;
	s7 =	simm.s32 @p2 $0x1082  }
0x22: {  	[simem:s7], [sflag:s8] =	dma.local @!p0 [hbm:s6], $0xF7A  }
0x23: {  	s9 =	sor.u32 $0xD0000000, s2;
	s6 =	simm.s32 $0x108;
	_ =	swait.ge @!p0 [sflag:s8], $0x0  }
0x24: {  	s3 =	sadd.s32 $0x88, s3;
	s6 =	simm.s32 @!p1 $0x1082;
	[sflag:s4] =	ssyncset.s32 $0xFFFFF086  }
0x25: {  	[simem:s6], [sflag:s4] =	dma.local [hbm:s3], $0xF7A  }
0x26: {  	[smem:$0x3F9D] =	sst s1;
	(tag) =	ssettag s2;
	_ =	strace s9  }
0x27: {  	s1 =	sld [smem:$0x3FAD]  }
0x28: {  	s2 =	sld [smem:$0x3FAE]  }
0x29: {  	s4 =	sld [smem:$0x3FB0]  }
0x2a: {  	p0 =	seq.s32 s5, $0x0;
	s5 =	sld [smem:$0x3FB1]  }
0x2b: {  	s6 =	sld [smem:$0x3FB2]  }
0x2c: {  	s7 =	sld [smem:$0x3FB3]  }
0x2d: {  	s3 =	simm.s32 $0x108;
	s8 =	sld [smem:$0x3FB4]  }
0x2e: {  	s3 =	simm.s32 @!p0 $0x1082;
	s9 =	sld [smem:$0x3FB5]  }
0x2f: {  	lr =	sadd.s32 s0, s3;
	s0 =	sld [smem:$0x3FAC]  }
0x30: {  	s3 =	sld [smem:$0x3FAF]  }
0x31: {  	[smem:$0x3FB8] =	sst s10  }
0x32: {  	s10 =	sld [smem:$0x3FB6];
	_ =	sdelay $0x3  }
0x33: {  	p0 =	seq.s32 s10, $0x1;
	s10 =	sld [smem:$0x3FB8];
	_ =	sdelay $0x3  }
0x34: {  	[smem:$0x3FB8] =	sst s10  }
0x35: {  	s10 =	sld [smem:$0x3FB7];
	_ =	sdelay $0x3  }
0x36: {  	p1 =	seq.s32 s10, $0x1;
	s10 =	sld [smem:$0x3FB8];
	_ =	sdelay $0x3  }
0x37: {  	[smem:$0x3FB8] =	sst s10  }
0x38: {  	s10 =	sld [smem:$0x3FB9]  }
0x39: {  	_ = 	snop;
	(pc) =	sbr.ind lr, $3  }
0x3a: {  	_ = 	snop  }
0x3b: {  	_ = 	snop  }
0x3c: {  	p2 =	seq.s32 s10, $0x1;
	s10 =	sld [smem:$0x3FB8]  }
0x3d: {  	_ =	shalt  }
0x3e: {  	_ =	shalt  }
0x3f: {  	_ =	shalt  }
0x40: {  	_ =	shalt  }
0x41: {  	_ =	shalt  }
0x42: {  	_ =	shalt  }
0x43: {  	_ =	shalt  }
0x44: {  	_ =	shalt  }
0x45: {  	_ =	shalt  }
0x46: {  	_ =	shalt  }
0x47: {  	_ =	shalt  }
0x48: {  	_ =	shalt  }
0x49: {  	_ =	shalt  }
0x4a: {  	_ =	shalt  }
0x4b: {  	_ =	shalt  }
0x4c: {  	_ =	shalt  }
0x4d: {  	_ =	shalt  }
0x4e: {  	_ =	shalt  }
0x4f: {  	_ =	shalt  }
0x50: {  	_ =	shalt  }
0x51: {  	_ =	shalt  }
0x52: {  	_ =	shalt  }
0x53: {  	_ =	shalt  }
0x54: {  	_ =	shalt  }
0x55: {  	_ =	shalt  }
0x56: {  	_ =	shalt  }
0x57: {  	_ =	shalt  }
0x58: {  	_ =	shalt  }
0x59: {  	_ =	shalt  }
0x5a: {  	_ =	shalt  }
0x5b: {  	_ =	shalt  }
0x5c: {  	_ =	shalt  }
0x5d: {  	_ =	shalt  }
0x5e: {  	_ =	shalt  }
0x5f: {  	_ =	shalt  }
0x60: {  	_ =	shalt  }
0x61: {  	_ =	shalt  }
0x62: {  	_ =	shalt  }
0x63: {  	_ =	shalt  }
0x64: {  	_ =	shalt  }
0x65: {  	_ =	shalt  }
0x66: {  	_ =	shalt  }
0x67: {  	_ =	shalt  }
0x68: {  	_ =	shalt  }
0x69: {  	_ =	shalt  }
0x6a: {  	_ =	shalt  }
0x6b: {  	_ =	shalt  }
0x6c: {  	_ =	shalt  }
0x6d: {  	_ =	shalt  }
0x6e: {  	_ =	shalt  }
0x6f: {  	_ =	shalt  }
0x70: {  	_ =	shalt  }
0x71: {  	_ =	shalt  }
0x72: {  	_ =	shalt  }
0x73: {  	_ =	shalt  }
0x74: {  	_ =	shalt  }
0x75: {  	_ =	shalt  }
0x76: {  	_ =	shalt  }
0x77: {  	_ =	shalt  }
0x78: {  	_ =	shalt  }
0x79: {  	_ =	shalt  }
0x7a: {  	_ =	shalt  }
0x7b: {  	_ =	shalt  }
0x7c: {  	_ =	shalt  }
0x7d: {  	_ =	shalt  }
0x7e: {  	_ =	shalt  }
0x7f: {  	_ =	shalt  }
0x80: {  	_ =	shalt  }
0x81: {  	_ =	shalt  }
0x82: {  	_ =	shalt  }
0x83: {  	_ =	shalt  }
0x84: {  	_ =	shalt  }
0x85: {  	_ =	shalt  }
0x86: {  	_ =	shalt  }
0x87: {  	_ =	shalt  }
.Lfunc_end0:
.L_simem_size_0:
called_computation_lowered:
.L_overlay_start_0:
0x88: {  	s2 =	sld [smem:$0x3FD9]  }
0x89: {  	s3 =	sld [smem:$0x3FFE];
	_ =	sdelay $0x1  }
0x8a: {  	s1 =	srdreg.scid  }
0x8b: {  	s0 =	sand.u32 $0x1, s1  }
0x8c: {  	s17 =	sshll.u32 s0, $0xA;
	s2 =	sadd.s32 s3, s2  }
0x8d: {  	s2 =	sadd.s32 s2, s17  }
0x8e: {  	[smem:$0x3FC4] =	sst s2  }
0x8f: {  	_ = 	snop  }
0x90: {  	s2 =	sld [smem:$0x3FC7]  }
0x91: {  	s18 =	sld [smem:$0x3FC6];
	(tm) =	ssettm $0x1  }
0x92: {  	s4 =	sld [smem:$0x3FFB];
	_ =	sdelay $0x3  }
0x93: {  	_ =	strace s4  }
0x94: {  	s4 =	sld [smem:$0x3FFC];
	_ =	sdelay $0x3  }
0x95: {  	_ =	strace s4  }
0x96: {  	s4 =	sld [smem:$0x3FFD];
	_ =	sdelay $0x3  }
0x97: {  	_ =	strace s4  }
0x98: {  	_ =	strace $0x8FFFFFFF  }
0x99: {  	s19 =	sld [smem:$0x3FDB];
	_ =	sdelay $0x1  }
0x9a: {  	s5 =	simm.s32 $_scs_section_size  }
0x9b: {  	s6 =	simm.s32 $_size__tile_overlayer_lowered;
	s7 =	simm.s32 $_tile_overlayer_lowered  }
0x9c: {  	s22 =	simm.s32 $0x1BFF;
	s21 =	sshll.u32 s7, $0x1;
	s4 =	sadd.s32 s5, s19  }
0x9d: {  	s8 =	simm.s32 $0x0;
	s20 =	sshll.u32 s6, $0x1;
	s6 =	sadd.s32 s21, s4  }
0x9e: {  	[timem:s8], [sflag:s22] =	dma.local [hbm:s6], s20  }
0x9f: {  	_ =	swait.ge [sflag:s22], s20  }
0xa0: {  	s5 =	ssub.s32 $0x0, s20;
	[sflag:s22] =	ssyncset.done $0x0  }
0xa1: {  	[sflag:s22] =	ssyncadd.s32 s5;
	_ =	sdelay $0x1  }
0xa2: {  	s23 =	simm.s32 $0x1B8B  }
0xa3: {  	_ =	swait.ge [sflag:s23], $0x1  }
0xa4: {  	[sflag:s23] =	ssyncset.done $0x0  }
0xa5: {  	s25 =	simm.s32 $0x1B8E;
	s24 =	sld [smem:$0x3FFE];
	[sflag:s23] =	ssyncadd.s32 $0xFFFFFFFF  }
0xa6: {  	s26 =	simm.s32 $execute0_lowered;
	[smem:$0x3FD2] =	sst s25  }
0xa7: {  	s6 =	sshll.u32 s26, $0x1;
	_ =	strace $0x80000046;
	[dreg:$0x1] =	wrdreg $0xFFFFFFFF  }
0xa8: {  	s28 =	simm.s32 $_size_execute0_lowered;
	s4 =	sadd.s32 s4, s6;
	[dreg:$0x0] =	wrdreg $0x0  }
0xa9: {  	s6 =	sshll.u32 s28, $0x1;
	[dreg:$0x2] =	wrdreg s4  }
0xaa: {  	[dreg:$0x3] =	wrdreg s6  }
0xab: {  	[dreg:$0x4] =	wrdreg $0xC0  }
0xac: {  	_ =	task [dreg:s8], $0x5FFFF  }
0xad: {  	[dreg:$0x1] =	wrdreg $0xFFFFFFFF  }
0xae: {  	[dreg:$0x0] =	wrdreg $0x60  }
0xaf: {  	[dreg:$0x2] =	wrdreg s24  }
0xb0: {  	[dreg:$0x3] =	wrdreg s2  }
0xb1: {  	[dreg:$0x4] =	wrdreg s18  }
0xb2: {  	[dreg:$0x5] =	wrdreg $0x9  }
0xb3: {  	_ =	task.clear_ibuf [dreg:s8], $0x6FFFF;
	_ =	strace $0x90000046  }
0xb4: {  	s29 =	simm.s32 $0x9;
	_ =	strace $0x80000048  }
0xb5: {  	_ =	swait.ge [sflag:s29], $0x1  }
0xb6: {  	[sflag:s29] =	ssyncadd.s32 $0xFFFFFFFF  }
0xb7: {  	_ =	strace $0x90000048  }
0xb8: {  	_ =	sfence  }
0xb9: {  	s30 =	sld [smem:$0x0];
	_ =	sdelay $0x2  }
0xba: {  	s31 =	sshll.u32 s1, $0xD;
	s1 =	sshrl.u32 s1, $0x2  }
0xbb: {  	s3 =	sand.u32 $0x4000, s31;
	s1 =	sadd.s32 s1, s30  }
0xbc: {  	s0 =	sor.u32 s3, s0;
	s1 =	sshll.u32 s1, $0x11  }
0xbd: {  	s0 =	sor.u32 s1, s0  }
0xbe: {  	s0 =	sadd.s32 $0x8F2B, s0  }
0xbf: {  	[sflag:s0] =	ssyncadd.remote.s32 $0x1  }
0xc0: {  	_ =	sfence.sel $0xFFFF  }
0xc1: {  	[dreg:$0x0] =	wrdreg $0xFFFFFFFF;
	(pc) =	sbr.abs _section_cstart, $3  }
0xc2: {  	[dreg:$0x1] =	wrdreg $0xFFFFFFFF  }
0xc3: {  	_ =	task.clear_ibuf [dreg:s8], $0x2FFFF;
	_ =	strace $0x9FFFFFFF  }
0xc4: {  	(tm) =	ssettm $0x7FFFFFFF  }
0xc5: {  	_ =	shalt  }
tec
execute0_lowered:
.L_overlay_start_1:
0x0: {  	(tag) =	ssettag $0x1  }
0x1: {  	s1 =	rddreg [dreg:$0x0]  }
0x2: {  	s3 =	rddreg [dreg:$0x1]  }
0x3: {  	s2 =	srdreg.scid;
	s0 =	stileid.u32  }
0x4: {  	s4 =	rddreg [dreg:$0x2];
	s5 =	simm.s32 $0x0;
	s13 =	simm.s32 $0x3  }
0x5: {  	s14 =	simm.s32 $0x7D0;
	s15 =	simm.s32 $0xFA0;
	s16 =	simm.s32 $0x1770  }
0x6: {  	s17 =	simm.s32 $0x1F40;
	s18 =	simm.s32 $0x2710;
	s19 =	simm.s32 $0x2EE0  }
0x7: {  	s20 =	simm.s32 $0x36B0;
	s21 =	simm.s32 $0x1;
	s22 =	simm.s32 $0x2  }
0x8: {  	s23 =	simm.s32 $0x3E80;
	s2 =	sand.u32 $0x1, s2;
	s6 =	sshll.u32 s0, $0x1  }
0x9: {  	s24 =	simm.s32 $0x0;
	[smem:$0x7FF] =	sst s5;
	s6 =	sor.u32 s2, s6  }
0xa: {  	p0 =	slt.u32 s0, $0x4;
	_ =	strace $0x80000047;
	s7 =	smul.u32 $0x9C, s6  }
0xb: {  	s2 =	ssub.s32 $0x2, s2;
	s8 =	smin.u32 s6, $0x8;
	s9 =	sshll.u32 s6, $0x2  }
0xc: {  	s30 =	sshrl.u32 s2, $0x1;
	s11 =	sadd.s32 s9, s1;
	s6 =	sadd.s32 s8, s7  }
0xd: {  	s2 =	ssub.s32 s2, s30;
	s7 =	simm.s32 $0x9D;
	s31 =	smul.u32 $0xFA, s6  }
0xe: {  	v0 =	vimm.f32 $1.000000000e+00;
	s11 =	sadd.s32 $0x1EA00, s11;
	s12 =	smax.u32 s2, $0x1;
	s7 =	simm.s32 @!p0 $0x9C  }
0xf: {  	v1 =	vimm.s32 $0x0;
	v4 =	vimm.f32 $0.0e+00;
	v2 =	vand.u32 $0x7FFFFFFF, v0;
	s10 =	sadd.s32 $0x2, s6;
	s8 =	sadd.s32 s3, s31;
	s9 =	sadd.s32 s4, s31  }
.LBB2_1:
0x10: {  	[tilespmem:s5], [sflag:$0x3] =	stream.linear.gather [hbm4b:s8+s5], $0x7D0, $0x38;
	[tilespmem:$0x3EA0] =	vst v63  }
0x11: {  	_ =	swait.ge [sflag:s13], $0x7D0  }
0x12: {  	[sflag:s13] =	ssyncset.done $0x0  }
0x13: {  	[sflag:s13] =	ssyncadd.s32 $0xFFFFF830  }
0x14: {  	[tilespmem:s14], [sflag:$0x3] =	stream.linear.gather [hbm4b:s9+s5], $0x7D0, $0x38;
	[tilespmem:$0x3EA0] =	vst v63  }
0x15: {  	_ =	swait.ge [sflag:s13], $0x7D0  }
0x16: {  	[sflag:s13] =	ssyncset.done $0x0  }
0x17: {  	[sflag:s13] =	ssyncadd.s32 $0xFFFFF830  }
0x18: {  	[tilespmem:s15], [sflag:$0x1] =	stream.indirect.gather [hbm4b:s1+s14], $0x1, s5, s14, $0xb8;
	[tilespmem:$0x3EA0] =	vst v63  }
0x19: {  	s25 =	simm.s32 $0x0  }
0x1a: {  	v3 =	vimm.f32 $0.0e+00;
	v5 =	vimm.f32 $0.0e+00;
	[tilespmem:s16], [sflag:$0x1] =	stream.indirect.gather [hbm4b:s1+s14], $0x1, s14, s14, $0xb8;
	[tilespmem:$0x3EA0] =	vst v63  }
.LBB2_2:
0x1b: {  	s26 =	sshllo.u32 s25, $0x1  }
0x1c: {  	s2 =	sadd.s32 s6, s26  }
0x1d: {  	s2 =	smin.u32 s2, $0x1387  }
0x1e: {  	s2 =	smul.u32 $0xFA, s2;
	_ =	sdelay $0x1  }
0x1f: {  	s29 =	simm.s32 $0x0;
	s28 =	sadd.s32 s3, s2  }
0x20: {  	[tilespmem:s17], [sflag:$0x3] =	stream.linear.gather [hbm4b:s28+s29], $0x7D0, $0x38;
	[tilespmem:$0x3EA0] =	vst v63  }
0x21: {  	_ =	swait.ge [sflag:s13], $0x7D0  }
0x22: {  	[sflag:s13] =	ssyncset.done $0x0  }
0x23: {  	s2 =	sadd.s32 s4, s2;
	[sflag:s13] =	ssyncadd.s32 $0xFFFFF830  }
0x24: {  	[tilespmem:s18], [sflag:$0x3] =	stream.linear.gather [hbm4b:s2+s29], $0x7D0, $0x38;
	[tilespmem:$0x3EA0] =	vst v63  }
0x25: {  	_ =	swait.ge [sflag:s13], $0x7D0  }
0x26: {  	[sflag:s13] =	ssyncset.done $0x0  }
0x27: {  	[sflag:s13] =	ssyncadd.s32 $0xFFFFF830  }
0x28: {  	[tilespmem:s19], [sflag:$0x2] =	stream.indirect.gather [hbm4b:s1+s14], $0x1, s17, s14, $0xb8;
	[tilespmem:$0x3EA0] =	vst v63  }
0x29: {  	_ = 	snop  }
0x2a: {  	[tilespmem:s20], [sflag:$0x2] =	stream.indirect.gather [hbm4b:s1+s14], $0x1, s18, s14, $0xb8;
	[tilespmem:$0x3EA0] =	vst v63  }
0x2b: {  	_ =	swait.ge [sflag:s21], $0x7D0  }
0x2c: {  	[sflag:s21] =	ssyncset.done $0x0  }
0x2d: {  	[sflag:s21] =	ssyncadd.s32 $0xFFFFF830  }
0x2e: {  	_ =	swait.ge [sflag:s21], $0x7D0  }
0x2f: {  	[sflag:s21] =	ssyncset.done $0x0  }
0x30: {  	s2 =	simm.s32 $0x0;
	[sflag:s21] =	ssyncadd.s32 $0xFFFFF830  }
0x31: {  	v7 =	vld [tilespmem:s2+$0xFA0]  }
0x32: {  	v8 =	vld [tilespmem:s2+$0x1770];
	_ =	sdelay $0x4  }
0x33: {  	v6 =	vand.u32 $0xFFFF0000, v7;
	v9 =	vand.u32 $0xFFFF0000, v8  }
0x34: {  	v6 =	vsub.f32 v9, v6;
	_ =	sdelay $0x1  }
0x35: {  	v6 =	vadd.f32 $0.0e+00, v6;
	_ =	sdelay $0x1  }
0x36: {  	v6 =	vmul.f32 $1.442695020e+00, v6;
	_ =	sdelay $0x1  }
0x37: {  	(erf) = vpow2.f32 v6;
	_ =	sdelay $0x8  }
0x38: {  	v6 =	vpop (erf)  }
0x39: {  	v6 =	vadd.f32 $1.000000000e+00, v6;
	_ =	sdelay $0x1  }
0x3a: {  	(erf) = vrcp.f32 v6;
	_ =	sdelay $0x4  }
0x3b: {  	s29 =	simm.s32 $0x10  }
0x3c: {  	v13 =	vld [tilespmem:s29+$0xFA0]  }
0x3d: {  	v6 =	vld [tilespmem:s29+$0x1770];
	_ =	sdelay $0x1  }
0x3e: {  	v9 =	vpop (erf)  }
0x3f: {  	v10 =	vsub.f32 $1.000000000e+00, v9  }
0x40: {  	v14 =	vadd.f32 $1.000000010e-07, v9  }
0x41: {  	v11 =	vand.u32 $0xFFFF0000, v13;
	v12 =	vand.u32 $0xFFFF0000, v6;
	v15 =	vadd.f32 $1.000000010e-07, v10  }
0x42: {  	v9 =	vsub.f32 v12, v11;
	v10 =	vand.u32 $0x7FFFFF, v14  }
0x43: {  	v10 =	vor.u32 $0x3F000000, v10;
	v11 =	vand.u32 $0x7FFFFF, v15  }
0x44: {  	v9 =	vadd.f32 $0.0e+00, v9;
	vm1 =	vlt.f32 v10, $7.071067690e-01;
	v11 =	vor.u32 $0x3F000000, v11  }
0x45: {  	v12 =	vnsel vm1, $0x80000000, v10;
	vm0 =	vlt.f32 v11, $7.071067690e-01  }
0x46: {  	v9 =	vmul.f32 $1.442695020e+00, v9;
	v10 =	vadd.f32 v10, v12;
	v16 =	vnsel vm0, $0x80000000, v11  }
0x47: {  	v11 =	vadd.f32 v11, v16  }
0x48: {  	(erf) = vpow2.f32 v9;
	v16 =	vadd.f32 $-1.000000000e+00, v10  }
0x49: {  	v17 =	vadd.f32 $-1.000000000e+00, v11  }
0x4a: {  	v9 =	vmul.f32 $7.037683580e-02, v16  }
0x4b: {  	v10 =	vmul.f32 $7.037683580e-02, v17  }
0x4c: {  	v9 =	vadd.f32 $-1.151461010e-01, v9  }
0x4d: {  	v10 =	vadd.f32 $-1.151461010e-01, v10  }
0x4e: {  	v9 =	vmul.f32 v9, v16  }
0x4f: {  	v10 =	vmul.f32 v10, v17  }
0x50: {  	v12 =	vadd.f32 $1.167699840e-01, v9  }
0x51: {  	s30 =	simm.s32 $0x20;
	v11 =	vpop (erf);
	v18 =	vadd.f32 $1.167699840e-01, v10  }
0x52: {  	v9 =	vld [tilespmem:s30+$0xFA0];
	v11 =	vadd.f32 $1.000000000e+00, v11;
	v12 =	vmul.f32 v12, v16  }
0x53: {  	v7 =	vshll.u32 v7, $0x10;
	v10 =	vld [tilespmem:s30+$0x1770];
	v18 =	vmul.f32 v18, v17  }
0x54: {  	v8 =	vshll.u32 v8, $0x10;
	(erf) = vrcp.f32 v11;
	v11 =	vadd.f32 $-1.242014100e-01, v12  }
0x55: {  	v7 =	vsub.f32 v7, v8;
	v12 =	vadd.f32 $-1.242014100e-01, v18  }
0x56: {  	v11 =	vmul.f32 v11, v16  }
0x57: {  	vm2 =	vlt.f32 v7, $0.0e+00;
	v12 =	vmul.f32 v12, v17  }
0x58: {  	v18 =	vand.u32 $0xFFFF0000, v9;
	v19 =	vand.u32 $0xFFFF0000, v10;
	v11 =	vadd.f32 $1.424932330e-01, v11  }
0x59: {  	vm3 =	vgt.f32 v7, $0.0e+00;
	v8 =	vsub.f32 v19, v18;
	v12 =	vadd.f32 $1.424932330e-01, v12  }
0x5a: {  	vm3 =	vmor vm3, vm2;
	v14 =	vshrl.u32 v14, $0x17;
	v11 =	vmul.f32 v11, v16  }
0x5b: {  	v15 =	vshrl.u32 v15, $0x17;
	v8 =	vadd.f32 $0.0e+00, v8;
	v12 =	vmul.f32 v12, v17  }
0x5c: {  	vm1 =	vmmov vm1;
	v15 =	vand.u32 $0xFF, v15;
	v11 =	vadd.f32 $-1.666805740e-01, v11  }
0x5d: {  	v22 =	vsel vm1, $0xFFFFFFFF, v1;
	v19 =	vpop (erf);
	v8 =	vmul.f32 $1.442695020e+00, v8;
	v12 =	vadd.f32 $-1.666805740e-01, v12  }
0x5e: {  	v18 =	vand.u32 $0x80000000, v7;
	v20 =	vadd.f32 $1.000000010e-07, v19;
	v11 =	vmul.f32 v11, v16  }
0x5f: {  	(erf) = vpow2.f32 v8;
	v8 =	vsub.f32 $1.000000000e+00, v19;
	v12 =	vmul.f32 v12, v17  }
0x60: {  	v25 =	vmul.f32 v17, v17;
	v18 =	vor.u32 v18, v2;
	v11 =	vadd.f32 $2.000071410e-01, v11  }
0x61: {  	v19 =	vand.u32 $0x7FFFFF, v20;
	v21 =	vadd.f32 $1.000000010e-07, v8;
	v12 =	vadd.f32 $2.000071410e-01, v12  }
0x62: {  	v8 =	vand.u32 $0xFF, v14;
	v14 =	vor.u32 $0x3F000000, v19;
	v11 =	vmul.f32 v11, v16  }
0x63: {  	v7 =	vsel vm3, v18, v7;
	vm2 =	vlt.f32 v14, $7.071067690e-01;
	v12 =	vmul.f32 v12, v17  }
0x64: {  	v8 =	vadd.s32 v22, v8;
	v22 =	vsel vm0, $0xFFFFFFFF, v1;
	v11 =	vadd.f32 $-2.499999400e-01, v11  }
0x65: {  	v19 =	vand.u32 $0x7FFFFF, v21;
	v23 =	vnsel vm2, $0x80000000, v14;
	v12 =	vadd.f32 $-2.499999400e-01, v12  }
0x66: {  	v8 =	vadd.s32 $0xFFFFFF82, v8;
	v15 =	vadd.s32 v22, v15;
	v11 =	vmul.f32 v11, v16  }
0x67: {  	v22 =	vmul.f32 v16, v16;
	v19 =	vor.u32 $0x3F000000, v19;
	v12 =	vmul.f32 v12, v17  }
0x68: {  	v14 =	vadd.f32 v14, v23;
	v8 =	vcvt.s32.f32 v8;
	v23 =	vadd.f32 $3.333333130e-01, v11  }
0x69: {  	v15 =	vadd.s32 $0xFFFFFF82, v15;
	vm1 =	vlt.f32 v19, $7.071067690e-01;
	v12 =	vadd.f32 $3.333333130e-01, v12  }
0x6a: {  	v24 =	vnsel vm1, $0x80000000, v19;
	v11 =	vadd.f32 $-1.000000000e+00, v14;
	v14 =	vmul.f32 v23, v16  }
0x6b: {  	v15 =	vcvt.s32.f32 v15;
	v19 =	vadd.f32 v19, v24;
	v12 =	vmul.f32 v12, v17  }
0x6c: {  	v7 =	vadd.f32 $1.000000000e+00, v7;
	v23 =	vmul.f32 $2.121944420e-04, v8;
	v14 =	vmul.f32 v14, v22  }
0x6d: {  	v24 =	vmul.f32 $2.121944420e-04, v15;
	v18 =	vmul.f32 v12, v25;
	v12 =	vadd.f32 $-1.000000000e+00, v19  }
0x6e: {  	v26 =	vmul.f32 $7.037683580e-02, v11;
	v19 =	vmul.f32 $5.000000000e-01, v22;
	v14 =	vsub.f32 v14, v23  }
0x6f: {  	v22 =	vmul.f32 $5.000000000e-01, v25;
	v18 =	vsub.f32 v18, v24;
	v24 =	vmul.f32 $7.037683580e-02, v12  }
0x70: {  	v15 =	vmul.f32 $6.933593750e-01, v15;
	v23 =	vadd.f32 $-1.151461010e-01, v26;
	v14 =	vsub.f32 v14, v19  }
0x71: {  	v19 =	vmul.f32 $5.000000000e-01, v7;
	v18 =	vsub.f32 v18, v22;
	v22 =	vadd.f32 $-1.151461010e-01, v24  }
0x72: {  	v8 =	vmul.f32 $6.933593750e-01, v8;
	v7 =	vmul.f32 v23, v11;
	v14 =	vadd.f32 v14, v16  }
0x73: {  	s31 =	simm.s32 $0x30;
	v23 =	vsub.f32 $1.000000000e+00, v19;
	v16 =	vadd.f32 v18, v17;
	v18 =	vmul.f32 v22, v12  }
0x74: {  	v17 =	vadd.f32 $1.167699840e-01, v7;
	v14 =	vadd.f32 v14, v8;
	v7 =	vld [tilespmem:s31+$0xFA0]  }
0x75: {  	v24 =	vpop (erf);
	v8 =	vld [tilespmem:s31+$0x1770];
	v15 =	vadd.f32 v16, v15;
	v16 =	vadd.f32 $1.167699840e-01, v18  }
0x76: {  	v22 =	vld [tilespmem:s2+$0x0];
	v17 =	vmul.f32 v17, v11;
	v18 =	vadd.f32 $1.000000000e+00, v24;
	v14 =	vmul.f32 v14, v19  }
0x77: {  	v19 =	vld [tilespmem:s2+$0x7D0];
	v15 =	vmul.f32 v15, v23;
	v16 =	vmul.f32 v16, v12  }
0x78: {  	v13 =	vshll.u32 v13, $0x10;
	(erf) = vrcp.f32 v18;
	v17 =	vadd.f32 $-1.242014100e-01, v17  }
0x79: {  	v6 =	vshll.u32 v6, $0x10;
	v14 =	vadd.f32 v15, v14;
	v15 =	vadd.f32 $-1.242014100e-01, v16  }
0x7a: {  	v13 =	vsub.f32 v13, v6;
	v18 =	vand.u32 $0xFFFF0000, v8;
	v16 =	vand.u32 $0xFFFF0000, v7  }
0x7b: {  	v17 =	vmul.f32 v17, v11;
	v14 =	vsub.f32 $0.0e+00, v14;
	v15 =	vmul.f32 v15, v12  }
0x7c: {  	vm3 =	vgt.f32 v13, $0.0e+00;
	vm0 =	veq.s32 v22, v19;
	v16 =	vsub.f32 v18, v16  }
0x7d: {  	v18 =	vadd.f32 $1.424932330e-01, v17;
	v6 =	vsel vm0, $0x0, v14;
	v14 =	vadd.f32 $1.424932330e-01, v15  }
0x7e: {  	v17 =	vsel vm0, $0x0, v0;
	v15 =	vadd.f32 $0.0e+00, v16;
	v16 =	vand.u32 $0x80000000, v13  }
0x7f: {  	vm0 =	vlt.f32 v13, $0.0e+00;
	v18 =	vmul.f32 v18, v11;
	v14 =	vmul.f32 v14, v12  }
0x80: {  	vm2 =	vmmov vm2;
	vm0 =	vmor vm3, vm0;
	v19 =	vmul.f32 $1.442695020e+00, v15  }
0x81: {  	v15 =	vor.u32 v16, v2;
	v18 =	vadd.f32 $-1.666805740e-01, v18;
	v16 =	vpop (erf);
	v22 =	vadd.f32 $-1.666805740e-01, v14  }
0x82: {  	v15 =	vsel vm0, v15, v13;
	v14 =	vadd.f32 $1.000000010e-07, v16;
	(erf) = vpow2.f32 v19  }
0x83: {  	v13 =	vsub.f32 $1.000000000e+00, v16;
	v16 =	vmul.f32 v18, v11;
	v19 =	vmul.f32 v22, v12  }
0x84: {  	v21 =	vshrl.u32 v21, $0x17;
	v24 =	vsel vm2, $0xFFFFFFFF, v1;
	v6 =	vadd.f32 v6, v4  }
0x85: {  	v23 =	vand.u32 $0xFF, v21;
	v16 =	vadd.f32 $2.000071410e-01, v16;
	v19 =	vadd.f32 $2.000071410e-01, v19  }
0x86: {  	v18 =	vshrl.u32 v20, $0x17;
	v20 =	vand.u32 $0x7FFFFF, v14;
	v13 =	vadd.f32 $1.000000010e-07, v13  }
0x87: {  	v25 =	vor.u32 $0x3F000000, v20;
	v16 =	vmul.f32 v16, v11;
	v19 =	vmul.f32 v19, v12  }
0x88: {  	v18 =	vand.u32 $0xFF, v18;
	vm0 =	vlt.f32 v25, $7.071067690e-01;
	v20 =	vand.u32 $0x7FFFFF, v13  }
0x89: {  	v26 =	vnsel vm0, $0x80000000, v25;
	v20 =	vor.u32 $0x3F000000, v20;
	v22 =	vadd.f32 $-2.499999400e-01, v16  }
0x8a: {  	v16 =	vadd.s32 v24, v18;
	v21 =	vadd.f32 v25, v26;
	v24 =	vadd.f32 $-2.499999400e-01, v19  }
0x8b: {  	s28 =	sshll.u32 s25, $0x1;
	s2 =	simm.s32 $0x100;
	v26 =	vsel vm1, $0xFFFFFFFF, v1;
	v18 =	vmovc v11;
	v25 =	vadd.s32 $0xFFFFFF82, v16;
	v16 =	vimm.f32 $0.0e+00;
	v19 =	vmovc v12  }
.LBB2_3:
0x8c: {  	p0 =	sne.s32 s2, $0x1F00;
	v27 =	vpop (erf);
	v22 =	vmul.f32 v22, v11;
	v23 =	vadd.s32 v26, v23;
	v24 =	vmul.f32 v24, v12  }
0x8d: {  	vm1 =	vlt.f32 v20, $7.071067690e-01;
	v25 =	vcvt.s32.f32 v25;
	v23 =	vadd.s32 $0xFFFFFF82, v23  }
0x8e: {  	v26 =	vmul.f32 v18, v11;
	v22 =	vadd.f32 $3.333333130e-01, v22;
	v24 =	vadd.f32 $3.333333130e-01, v24  }
0x8f: {  	v29 =	vmul.f32 v19, v12;
	v28 =	vnsel vm1, $0x80000000, v20;
	v23 =	vcvt.s32.f32 v23  }
0x90: {  	v18 =	vadd.f32 $-1.000000000e+00, v21;
	v19 =	vmul.f32 v22, v11;
	v21 =	vmul.f32 v24, v12  }
0x91: {  	v20 =	vadd.f32 v20, v28;
	v22 =	vmul.f32 $2.121944420e-04, v25;
	v24 =	vmul.f32 $2.121944420e-04, v23  }
0x92: {  	v15 =	vadd.f32 $1.000000000e+00, v15;
	v28 =	vmul.f32 v19, v26;
	v21 =	vmul.f32 v21, v29  }
0x93: {  	v30 =	vmul.f32 $7.037683580e-02, v18;
	v19 =	vadd.f32 $-1.000000000e+00, v20;
	v20 =	vmul.f32 $5.000000000e-01, v26  }
0x94: {  	v22 =	vsub.f32 v28, v22;
	v21 =	vsub.f32 v21, v24;
	v24 =	vmul.f32 $5.000000000e-01, v29  }
0x95: {  	v16 =	vadd.f32 v17, v16;
	v26 =	vadd.f32 $-1.151461010e-01, v30;
	v28 =	vmul.f32 $7.037683580e-02, v19  }
0x96: {  	v15 =	vmul.f32 $5.000000000e-01, v15;
	v17 =	vsub.f32 v22, v20;
	v20 =	vsub.f32 v21, v24  }
0x97: {  	v25 =	vmul.f32 $6.933593750e-01, v25;
	v21 =	vmul.f32 v26, v18;
	v22 =	vadd.f32 $-1.151461010e-01, v28;
	v24 =	vld [tilespmem:s29+$0x0]  }
0x98: {  	v23 =	vmul.f32 $6.933593750e-01, v23;
	v26 =	vld [tilespmem:s29+$0x7D0];
	v17 =	vadd.f32 v17, v11;
	v20 =	vadd.f32 v20, v12;
	v11 =	vmovc v18;
	v12 =	vmovc v19;
	s29 =	smov.u32 s30;
	s30 =	smov.u32 s31  }
0x99: {  	v28 =	vsub.f32 $1.000000000e+00, v15;
	v21 =	vadd.f32 $1.167699840e-01, v21;
	v22 =	vmul.f32 v22, v12  }
0x9a: {  	vm2 =	vmmov vm0;
	s31 =	sshra.s32 s2, $0x2;
	v17 =	vadd.f32 v17, v25;
	v20 =	vadd.f32 v20, v23  }
0x9b: {  	v21 =	vmul.f32 v21, v11;
	v23 =	vld [tilespmem:s31+$0xFA0];
	v22 =	vadd.f32 $1.167699840e-01, v22  }
0x9c: {  	v27 =	vadd.f32 $1.000000000e+00, v27;
	v25 =	vld [tilespmem:s31+$0x1770];
	v15 =	vmul.f32 v17, v15;
	v17 =	vmul.f32 v20, v28  }
0x9d: {  	v20 =	vmul.f32 v22, v12;
	vm0 =	veq.s32 v24, v26  }
0x9e: {  	v21 =	vadd.f32 $-1.242014100e-01, v21;
	(erf) = vrcp.f32 v27;
	v15 =	vadd.f32 v17, v15  }
0x9f: {  	v22 =	vshll.u32 v10, $0x10;
	v10 =	vmovc v8;
	v17 =	vshll.u32 v9, $0x10;
	v9 =	vmovc v7;
	v20 =	vadd.f32 $-1.242014100e-01, v20  }
0xa0: {  	v21 =	vmul.f32 v21, v11;
	v24 =	vand.u32 $0xFFFF0000, v23;
	v15 =	vsub.f32 $0.0e+00, v15;
	v7 =	vmovc v23  }
0xa1: {  	v22 =	vsub.f32 v17, v22;
	v23 =	vand.u32 $0xFFFF0000, v25;
	v20 =	vmul.f32 v20, v12;
	v8 =	vmovc v25  }
0xa2: {  	v21 =	vadd.f32 $1.424932330e-01, v21;
	v23 =	vsub.f32 v23, v24;
	v15 =	vsel vm0, $0x0, v15  }
0xa3: {  	v17 =	vsel vm0, $0x0, v0;
	v20 =	vadd.f32 $1.424932330e-01, v20;
	v6 =	vadd.f32 v15, v6  }
0xa4: {  	vm0 =	vlt.f32 v22, $0.0e+00;
	v15 =	vadd.f32 $0.0e+00, v23;
	v23 =	vand.u32 $0x80000000, v22  }
0xa5: {  	vm3 =	vgt.f32 v22, $0.0e+00;
	v21 =	vmul.f32 v21, v11;
	v20 =	vmul.f32 v20, v12  }
0xa6: {  	vm0 =	vmor vm3, vm0;
	v24 =	vmul.f32 $1.442695020e+00, v15;
	v15 =	vor.u32 v23, v2  }
0xa7: {  	v21 =	vadd.f32 $-1.666805740e-01, v21;
	v23 =	vpop (erf);
	v20 =	vadd.f32 $-1.666805740e-01, v20;
	v15 =	vsel vm0, v15, v22  }
0xa8: {  	(erf) = vpow2.f32 v24;
	v22 =	vadd.f32 $1.000000010e-07, v23;
	v23 =	vsub.f32 $1.000000000e+00, v23  }
0xa9: {  	v26 =	vshrl.u32 v14, $0x17;
	v21 =	vmul.f32 v21, v11;
	v20 =	vmul.f32 v20, v12  }
0xaa: {  	v25 =	vand.u32 $0xFF, v26;
	v24 =	vand.u32 $0x7FFFFF, v22;
	v23 =	vadd.f32 $1.000000010e-07, v23;
	v14 =	vmovc v22  }
0xab: {  	v21 =	vadd.f32 $2.000071410e-01, v21;
	v26 =	vor.u32 $0x3F000000, v24;
	v20 =	vadd.f32 $2.000071410e-01, v20  }
.Ltmp0:
0xac: {  	v24 =	vshrl.u32 v13, $0x17;
	vm0 =	vlt.f32 v26, $7.071067690e-01;
	v22 =	vand.u32 $0x7FFFFF, v23;
	v13 =	vmovc v23;
	(pc) =	sbr.rel @p0 .LBB2_3-.Ltmp0, $4  }
0xad: {  	v27 =	vsel vm2, $0xFFFFFFFF, v1;
	v21 =	vmul.f32 v21, v11;
	v28 =	vmul.f32 v20, v12  }
0xae: {  	v23 =	vand.u32 $0xFF, v24;
	v29 =	vnsel vm0, $0x80000000, v26;
	v20 =	vor.u32 $0x3F000000, v22  }
0xaf: {  	v25 =	vadd.s32 v27, v25;
	v22 =	vadd.f32 $-2.499999400e-01, v21;
	v24 =	vadd.f32 $-2.499999400e-01, v28  }
0xb0: {  	s2 =	sadd.s32 $0x40, s2;
	v25 =	vadd.s32 $0xFFFFFF82, v25;
	v21 =	vadd.f32 v26, v29;
	v26 =	vsel vm1, $0xFFFFFFFF, v1  }
0xb1: {  	vm1 =	vlt.f32 v20, $7.071067690e-01  }
0xb2: {  	v27 =	vnsel vm1, $0x80000000, v20  }
0xb3: {  	v24 =	vmul.f32 v24, v12;
	v20 =	vadd.f32 v20, v27  }
0xb4: {  	v27 =	vmul.f32 v22, v11;
	v22 =	vadd.f32 $-1.000000000e+00, v21  }
0xb5: {  	v24 =	vadd.f32 $3.333333130e-01, v24;
	v21 =	vadd.f32 $-1.000000000e+00, v20  }
0xb6: {  	v20 =	vadd.s32 v26, v23;
	v23 =	vcvt.s32.f32 v25;
	v25 =	vmul.f32 $7.037683580e-02, v22  }
0xb7: {  	v26 =	vmul.f32 $7.037683580e-02, v21  }
0xb8: {  	v28 =	vmul.f32 v19, v12;
	v24 =	vmul.f32 v24, v12;
	v20 =	vadd.s32 $0xFFFFFF82, v20  }
0xb9: {  	v29 =	vcvt.s32.f32 v20;
	v19 =	vadd.f32 $-1.151461010e-01, v25;
	v20 =	vadd.f32 $-1.151461010e-01, v26  }
0xba: {  	v18 =	vmul.f32 v18, v11;
	v27 =	vadd.f32 $3.333333130e-01, v27;
	v24 =	vmul.f32 v24, v28;
	v25 =	vpop (erf)  }
0xbb: {  	v19 =	vmul.f32 v19, v22;
	v25 =	vadd.f32 $1.000000000e+00, v25;
	v20 =	vmul.f32 v20, v21  }
0xbc: {  	v26 =	vmul.f32 v27, v11;
	v27 =	vmul.f32 $2.121944420e-04, v23  }
0xbd: {  	v19 =	vadd.f32 $1.167699840e-01, v19;
	(erf) = vrcp.f32 v25;
	v20 =	vadd.f32 $1.167699840e-01, v20  }
0xbe: {  	v30 =	vmul.f32 $2.121944420e-04, v29;
	v25 =	vmul.f32 v26, v18  }
0xbf: {  	v16 =	vadd.f32 v17, v16;
	v26 =	vmul.f32 v19, v22;
	v31 =	vmul.f32 v20, v21  }
0xc0: {  	v24 =	vsub.f32 v24, v30;
	v18 =	vmul.f32 $5.000000000e-01, v18;
	v25 =	vsub.f32 v25, v27  }
0xc1: {  	s2 =	sadd.s32 s28, s10;
	v17 =	vld [tilespmem:s30+$0x0];
	v27 =	vmul.f32 $5.000000000e-01, v28;
	v26 =	vadd.f32 $-1.242014100e-01, v26;
	v28 =	vadd.f32 $-1.242014100e-01, v31  }
0xc2: {  	v10 =	vshll.u32 v10, $0x10;
	vm0 =	vmmov vm0;
	s2 =	smin.u32 s2, $0x1387;
	v19 =	vld [tilespmem:s29+$0x0];
	v25 =	vsub.f32 v25, v18  }
0xc3: {  	s2 =	smul.u32 $0xFA, s2;
	v20 =	vld [tilespmem:s29+$0x7D0];
	v24 =	vsub.f32 v24, v27;
	v26 =	vmul.f32 v26, v22;
	v27 =	vmul.f32 v28, v21  }
0xc4: {  	v14 =	vshrl.u32 v14, $0x17;
	v23 =	vmul.f32 $6.933593750e-01, v23;
	v18 =	vld [tilespmem:s30+$0x7D0];
	v25 =	vadd.f32 v25, v11  }
0xc5: {  	s29 =	sadd.s32 s3, s2;
	s30 =	simm.s32 $0x0;
	v11 =	vld [tilespmem:s31+$0x7D0];
	v28 =	vshll.u32 v9, $0x10;
	v26 =	vadd.f32 $1.424932330e-01, v26;
	v27 =	vadd.f32 $1.424932330e-01, v27  }
0xc6: {  	v12 =	vadd.f32 v24, v12;
	v24 =	vmul.f32 $6.933593750e-01, v29;
	v9 =	vld [tilespmem:s31+$0x0];
	[tilespmem:s30], [sflag:$0x3] =	stream.linear.gather [hbm4b:s29+s30], $0x7D0, $0x38;
	v28 =	vsub.f32 v28, v10;
	v10 =	vpop (erf)  }
0xc7: {  	v25 =	vadd.f32 v25, v23;
	v23 =	vmul.f32 v26, v22;
	_ =	swait.ge [sflag:s13], $0x7D0;
	v26 =	vmul.f32 v27, v21  }
0xc8: {  	v13 =	vshrl.u32 v13, $0x17;
	v15 =	vadd.f32 $1.000000000e+00, v15;
	v24 =	vadd.f32 v12, v24;
	[sflag:s13] =	ssyncset.done $0x0  }
0xc9: {  	v13 =	vand.u32 $0xFF, v13;
	s2 =	sadd.s32 s4, s2;
	v12 =	vadd.f32 $-1.666805740e-01, v23;
	[sflag:s13] =	ssyncadd.s32 $0xFFFFF830;
	v23 =	vadd.f32 $-1.666805740e-01, v26  }
0xca: {  	v15 =	vmul.f32 $5.000000000e-01, v15;
	v35 =	vmul.f32 v21, v21;
	v26 =	vadd.f32 $1.000000010e-07, v10;
	[tilespmem:s14], [sflag:$0x3] =	stream.linear.gather [hbm4b:s2+s30], $0x7D0, $0x38;
	[tilespmem:$0x3EA0] =	vst v63  }
0xcb: {  	vm3 =	vlt.f32 v28, $0.0e+00;
	vm4 =	vgt.f32 v28, $0.0e+00;
	v10 =	vsub.f32 $1.000000000e+00, v10;
	_ =	swait.ge [sflag:s13], $0x7D0  }
0xcc: {  	v27 =	vand.u32 $0x80000000, v28;
	v12 =	vmul.f32 v12, v22;
	v29 =	vand.u32 $0x7FFFFF, v26;
	[sflag:s13] =	ssyncset.done $0x0  }
0xcd: {  	v23 =	vmul.f32 v23, v21;
	v30 =	vadd.f32 $1.000000010e-07, v10;
	v10 =	vand.u32 $0xFF, v14;
	[sflag:s13] =	ssyncadd.s32 $0xFFFFF830  }
0xce: {  	v12 =	vadd.f32 $2.000071410e-01, v12;
	v14 =	vor.u32 $0x3F000000, v29;
	v29 =	vsel vm0, $0xFFFFFFFF, v1;
	[tilespmem:s15], [sflag:$0x1] =	stream.indirect.gather [hbm4b:s1+s14], $0x1, s30, s14, $0xb8;
	[tilespmem:$0x3EA0] =	vst v63  }
0xcf: {  	v23 =	vadd.f32 $2.000071410e-01, v23;
	vm2 =	vlt.f32 v14, $7.071067690e-01;
	v31 =	vand.u32 $0x7FFFFF, v30  }
0xd0: {  	v12 =	vmul.f32 v12, v22;
	v10 =	vadd.s32 v29, v10;
	v31 =	vor.u32 $0x3F000000, v31;
	[tilespmem:s16], [sflag:$0x1] =	stream.indirect.gather [hbm4b:s1+s14], $0x1, s14, s14, $0xb8;
	[tilespmem:$0x3EA0] =	vst v63  }
0xd1: {  	v29 =	vsel vm1, $0xFFFFFFFF, v1;
	v32 =	vnsel vm2, $0x80000000, v14;
	vm0 =	vlt.f32 v31, $7.071067690e-01;
	_ =	swait.ge [sflag:s22], $0x7D0  }
0xd2: {  	v23 =	vmul.f32 v23, v21;
	v14 =	vadd.f32 v14, v32;
	v60 =	vnsel vm0, $0x80000000, v31;
	[sflag:s22] =	ssyncset.done $0x0  }
0xd3: {  	v10 =	vadd.s32 $0xFFFFFF82, v10;
	v12 =	vadd.f32 $-2.499999400e-01, v12;
	v31 =	vadd.f32 v31, v60;
	[sflag:s22] =	ssyncadd.s32 $0xFFFFF830  }
0xd4: {  	v13 =	vadd.s32 v29, v13;
	v33 =	vadd.f32 $-2.499999400e-01, v23;
	v23 =	vadd.f32 $-1.000000000e+00, v14;
	_ =	swait.ge [sflag:s22], $0x7D0  }
0xd5: {  	v29 =	vcvt.s32.f32 v10;
	v12 =	vmul.f32 v12, v22;
	v10 =	vadd.f32 $-1.000000000e+00, v31;
	[sflag:s22] =	ssyncset.done $0x0  }
0xd6: {  	s31 =	simm.s32 $0x0;
	v25 =	vmul.f32 v25, v15;
	v27 =	vor.u32 v27, v2;
	v61 =	vmul.f32 $7.037683580e-02, v23;
	[sflag:s22] =	ssyncadd.s32 $0xFFFFF830  }
0xd7: {  	v13 =	vadd.s32 $0xFFFFFF82, v13;
	v62 =	vadd.f32 $3.333333130e-01, v12;
	v34 =	vmul.f32 $7.037683580e-02, v10;
	v12 =	vld [tilespmem:s31+$0x2EE0]  }
0xd8: {  	v36 =	vcvt.s32.f32 v13;
	v14 =	vmul.f32 v33, v21;
	v32 =	vadd.f32 $-1.151461010e-01, v61;
	v13 =	vld [tilespmem:s31+$0x36B0]  }
0xd9: {  	vm1 =	vmor vm4, vm3;
	v31 =	vmul.f32 v22, v22;
	v34 =	vadd.f32 $-1.151461010e-01, v34  }
0xda: {  	v14 =	vadd.f32 $3.333333130e-01, v14;
	v33 =	vmul.f32 v62, v22;
	v32 =	vmul.f32 v32, v23  }
0xdb: {  	v27 =	vsel vm1, v27, v28;
	v37 =	vmul.f32 $2.121944420e-04, v29;
	v34 =	vmul.f32 v34, v10  }
0xdc: {  	v14 =	vmul.f32 v14, v21;
	v33 =	vmul.f32 v33, v31;
	v32 =	vadd.f32 $1.167699840e-01, v32  }
0xdd: {  	v34 =	vadd.f32 $1.167699840e-01, v34;
	v39 =	vand.u32 $0xFFFF0000, v12;
	v40 =	vand.u32 $0xFFFF0000, v13  }
0xde: {  	v38 =	vmul.f32 $2.121944420e-04, v36;
	v32 =	vmul.f32 v32, v23;
	v28 =	vsub.f32 v40, v39  }
0xdf: {  	v14 =	vmul.f32 v14, v35;
	v33 =	vsub.f32 v33, v37;
	v34 =	vmul.f32 v34, v10  }
0xe0: {  	v31 =	vmul.f32 $5.000000000e-01, v31;
	v32 =	vadd.f32 $-1.242014100e-01, v32;
	v28 =	vadd.f32 $0.0e+00, v28  }
0xe1: {  	v35 =	vmul.f32 $5.000000000e-01, v35;
	v14 =	vsub.f32 v14, v38;
	v34 =	vadd.f32 $-1.242014100e-01, v34  }
0xe2: {  	v31 =	vsub.f32 v33, v31;
	v32 =	vmul.f32 v32, v23;
	v28 =	vmul.f32 $1.442695020e+00, v28  }
0xe3: {  	v27 =	vadd.f32 $1.000000000e+00, v27;
	v14 =	vsub.f32 v14, v35;
	v63 =	vmul.f32 v34, v10  }
0xe4: {  	v22 =	vadd.f32 v31, v22;
	(erf) = vpow2.f32 v28;
	v28 =	vadd.f32 $1.424932330e-01, v32  }
0xe5: {  	v14 =	vadd.f32 v14, v21;
	v21 =	vmul.f32 $6.933593750e-01, v29;
	v31 =	vadd.f32 $1.424932330e-01, v63  }
0xe6: {  	v15 =	vsub.f32 $1.000000000e+00, v15;
	v27 =	vmul.f32 $5.000000000e-01, v27;
	v28 =	vmul.f32 v28, v23  }
0xe7: {  	v21 =	vadd.f32 v22, v21;
	v22 =	vmul.f32 $6.933593750e-01, v36;
	v29 =	vmul.f32 v31, v10  }
0xe8: {  	v15 =	vmul.f32 v24, v15;
	v24 =	vsub.f32 $1.000000000e+00, v27;
	v28 =	vadd.f32 $-1.666805740e-01, v28  }
0xe9: {  	v7 =	vshll.u32 v7, $0x10;
	v14 =	vadd.f32 v14, v22;
	v29 =	vadd.f32 $-1.666805740e-01, v29  }
0xea: {  	v8 =	vshll.u32 v8, $0x10;
	v21 =	vmul.f32 v21, v27;
	v22 =	vmul.f32 v28, v23  }
0xeb: {  	v7 =	vsub.f32 v7, v8;
	v14 =	vmul.f32 v14, v24;
	v27 =	vmul.f32 v29, v10  }
0xec: {  	v15 =	vadd.f32 v15, v25;
	v8 =	vadd.f32 $2.000071410e-01, v22  }
0xed: {  	vm2 =	vmmov vm2;
	v24 =	vadd.f32 v14, v21;
	v22 =	vadd.f32 $2.000071410e-01, v27  }
0xee: {  	v21 =	vshrl.u32 v26, $0x17;
	v26 =	vshrl.u32 v30, $0x17;
	v8 =	vmul.f32 v8, v23  }
0xef: {  	v21 =	vand.u32 $0xFF, v21;
	v25 =	vpop (erf);
	v27 =	vsel vm2, $0xFFFFFFFF, v1;
	v22 =	vmul.f32 v22, v10  }
0xf0: {  	v25 =	vadd.f32 $1.000000000e+00, v25;
	v21 =	vadd.s32 v27, v21;
	v8 =	vadd.f32 $-2.499999400e-01, v8  }
0xf1: {  	v26 =	vand.u32 $0xFF, v26;
	v21 =	vadd.s32 $0xFFFFFF82, v21;
	v22 =	vadd.f32 $-2.499999400e-01, v22  }
0xf2: {  	(erf) = vrcp.f32 v25;
	v25 =	vsel vm0, $0xFFFFFFFF, v1;
	v8 =	vmul.f32 v8, v23  }
0xf3: {  	v25 =	vadd.s32 v25, v26;
	v26 =	vcvt.s32.f32 v21;
	v22 =	vmul.f32 v22, v10  }
0xf4: {  	v15 =	vsub.f32 $0.0e+00, v15;
	v8 =	vadd.f32 $3.333333130e-01, v8  }
0xf5: {  	v27 =	vmul.f32 v23, v23;
	v29 =	vmul.f32 $2.121944420e-04, v26;
	v21 =	vadd.f32 $3.333333130e-01, v22  }
0xf6: {  	v22 =	vadd.s32 $0xFFFFFF82, v25;
	v25 =	vmul.f32 v10, v10;
	v8 =	vmul.f32 v8, v23  }
0xf7: {  	s29 =	simm.s32 $0x10;
	v14 =	vand.u32 $0x80000000, v7;
	v22 =	vcvt.s32.f32 v22;
	v21 =	vmul.f32 v21, v10  }
0xf8: {  	vm1 =	vlt.f32 v7, $0.0e+00;
	v28 =	vor.u32 v14, v2;
	v14 =	vld [tilespmem:s29+$0x2EE0];
	v8 =	vmul.f32 v8, v27  }
0xf9: {  	vm0 =	vgt.f32 v7, $0.0e+00;
	v30 =	vmul.f32 $2.121944420e-04, v22;
	v31 =	vmul.f32 v21, v25;
	v21 =	vld [tilespmem:s29+$0x36B0]  }
0xfa: {  	vm0 =	vmor vm0, vm1;
	v27 =	vmul.f32 $5.000000000e-01, v27;
	v8 =	vsub.f32 v8, v29  }
0xfb: {  	v7 =	vsel vm0, v28, v7;
	v25 =	vmul.f32 $5.000000000e-01, v25;
	v29 =	vpop (erf);
	v28 =	vsub.f32 v31, v30  }
0xfc: {  	vm2 =	veq.s32 v19, v20;
	v8 =	vsub.f32 v8, v27;
	v27 =	vsub.f32 $1.000000000e+00, v29  }
0xfd: {  	v15 =	vsel vm2, $0x0, v15;
	v25 =	vsub.f32 v28, v25;
	v28 =	vadd.f32 $1.000000010e-07, v29  }
0xfe: {  	v29 =	vand.u32 $0xFFFF0000, v14;
	v30 =	vand.u32 $0xFFFF0000, v21;
	v27 =	vadd.f32 $1.000000010e-07, v27  }
0xff: {  	v6 =	vadd.f32 v15, v6;
	v29 =	vsub.f32 v30, v29;
	v30 =	vand.u32 $0x7FFFFF, v28  }
0x100: {  	v23 =	vadd.f32 v8, v23;
	v8 =	vor.u32 $0x3F000000, v30;
	v30 =	vand.u32 $0x7FFFFF, v27  }
0x101: {  	v29 =	vadd.f32 $0.0e+00, v29;
	vm1 =	vlt.f32 v8, $7.071067690e-01;
	v30 =	vor.u32 $0x3F000000, v30  }
0x102: {  	v10 =	vadd.f32 v25, v10;
	v25 =	vnsel vm1, $0x80000000, v8;
	vm0 =	vlt.f32 v30, $7.071067690e-01  }
0x103: {  	v29 =	vmul.f32 $1.442695020e+00, v29;
	v8 =	vadd.f32 v8, v25;
	v25 =	vnsel vm0, $0x80000000, v30  }
0x104: {  	v7 =	vadd.f32 $1.000000000e+00, v7;
	v25 =	vadd.f32 v30, v25  }
0x105: {  	v26 =	vmul.f32 $6.933593750e-01, v26;
	(erf) = vpow2.f32 v29;
	v8 =	vadd.f32 $-1.000000000e+00, v8  }
0x106: {  	v7 =	vmul.f32 $5.000000000e-01, v7;
	v22 =	vmul.f32 $6.933593750e-01, v22;
	v19 =	vadd.f32 $-1.000000000e+00, v25  }
0x107: {  	v20 =	vadd.f32 v23, v26;
	v23 =	vsub.f32 $0.0e+00, v24;
	v15 =	vmul.f32 $7.037683580e-02, v8  }
0x108: {  	v10 =	vadd.f32 v10, v22;
	v29 =	vsub.f32 $1.000000000e+00, v7;
	v22 =	vmul.f32 $7.037683580e-02, v19  }
0x109: {  	v7 =	vmul.f32 v20, v7;
	v20 =	vsel vm2, $0x0, v0;
	v15 =	vadd.f32 $-1.151461010e-01, v15  }
0x10a: {  	vm2 =	veq.s32 v17, v18;
	v10 =	vmul.f32 v10, v29;
	v22 =	vadd.f32 $-1.151461010e-01, v22  }
0x10b: {  	v16 =	vadd.f32 v20, v16;
	v20 =	vsel vm2, $0x0, v0;
	v15 =	vmul.f32 v15, v8  }
0x10c: {  	s30 =	simm.s32 $0x20;
	v7 =	vadd.f32 v10, v7;
	v10 =	vsel vm2, $0x0, v23;
	v17 =	vmul.f32 v22, v19  }
0x10d: {  	vm2 =	veq.s32 v9, v11;
	v11 =	vld [tilespmem:s30+$0x36B0];
	v6 =	vadd.f32 v10, v6;
	v15 =	vadd.f32 $1.167699840e-01, v15  }
0x10e: {  	v12 =	vshll.u32 v12, $0x10;
	v10 =	vld [tilespmem:s30+$0x2EE0];
	v7 =	vsub.f32 $0.0e+00, v7;
	v18 =	vpop (erf);
	v17 =	vadd.f32 $1.167699840e-01, v17  }
0x10f: {  	v13 =	vshll.u32 v13, $0x10;
	v9 =	vadd.f32 $1.000000000e+00, v18;
	v15 =	vmul.f32 v15, v8  }
0x110: {  	v12 =	vsub.f32 v12, v13;
	v7 =	vsel vm2, $0x0, v7;
	v17 =	vmul.f32 v17, v19  }
0x111: {  	v6 =	vadd.f32 v7, v6;
	(erf) = vrcp.f32 v9;
	v7 =	vadd.f32 $-1.242014100e-01, v15  }
0x112: {  	vm3 =	vgt.f32 v12, $0.0e+00;
	v18 =	vadd.f32 v20, v16;
	v9 =	vadd.f32 $-1.242014100e-01, v17  }
0x113: {  	v16 =	vand.u32 $0xFFFF0000, v11;
	v15 =	vand.u32 $0xFFFF0000, v10;
	v7 =	vmul.f32 v7, v8  }
0x114: {  	vm1 =	vmmov vm1;
	v13 =	vsub.f32 v16, v15;
	v9 =	vmul.f32 v9, v19  }
0x115: {  	v24 =	vsel vm1, $0xFFFFFFFF, v1;
	v26 =	vmul.f32 v19, v19;
	v7 =	vadd.f32 $1.424932330e-01, v7  }
0x116: {  	v23 =	vshrl.u32 v27, $0x17;
	v13 =	vadd.f32 $0.0e+00, v13;
	v9 =	vadd.f32 $1.424932330e-01, v9  }
0x117: {  	v23 =	vand.u32 $0xFF, v23;
	v17 =	vsel vm2, $0x0, v0;
	v7 =	vmul.f32 v7, v8  }
0x118: {  	v15 =	vand.u32 $0x80000000, v12;
	v13 =	vmul.f32 $1.442695020e+00, v13;
	v9 =	vmul.f32 v9, v19  }
0x119: {  	vm2 =	vlt.f32 v12, $0.0e+00;
	v15 =	vor.u32 v15, v2;
	v7 =	vadd.f32 $-1.666805740e-01, v7  }
0x11a: {  	vm2 =	vmor vm3, vm2;
	v16 =	vpop (erf);
	v9 =	vadd.f32 $-1.666805740e-01, v9;
	(erf) = vpow2.f32 v13  }
0x11b: {  	v20 =	vadd.f32 $1.000000010e-07, v16;
	v13 =	vsub.f32 $1.000000000e+00, v16;
	v7 =	vmul.f32 v7, v8  }
0x11c: {  	v12 =	vsel vm2, v15, v12;
	v15 =	vshrl.u32 v28, $0x17;
	v9 =	vmul.f32 v9, v19  }
0x11d: {  	v16 =	vand.u32 $0x7FFFFF, v20;
	v22 =	vadd.f32 $1.000000010e-07, v13;
	v7 =	vadd.f32 $2.000071410e-01, v7  }
0x11e: {  	v13 =	vand.u32 $0xFF, v15;
	v15 =	vor.u32 $0x3F000000, v16;
	v9 =	vadd.f32 $2.000071410e-01, v9  }
0x11f: {  	v13 =	vadd.s32 v24, v13;
	v24 =	vsel vm0, $0xFFFFFFFF, v1;
	v7 =	vmul.f32 v7, v8  }
0x120: {  	vm2 =	vlt.f32 v15, $7.071067690e-01;
	v16 =	vand.u32 $0x7FFFFF, v22;
	v9 =	vmul.f32 v9, v19  }
0x121: {  	v13 =	vadd.s32 $0xFFFFFF82, v13;
	v23 =	vadd.s32 v24, v23;
	v7 =	vadd.f32 $-2.499999400e-01, v7  }
0x122: {  	v24 =	vmul.f32 v8, v8;
	v25 =	vnsel vm2, $0x80000000, v15;
	v9 =	vadd.f32 $-2.499999400e-01, v9  }
0x123: {  	v16 =	vor.u32 $0x3F000000, v16;
	v13 =	vcvt.s32.f32 v13;
	v7 =	vmul.f32 v7, v8  }
0x124: {  	v23 =	vadd.s32 $0xFFFFFF82, v23;
	v15 =	vadd.f32 v15, v25;
	v9 =	vmul.f32 v9, v19  }
0x125: {  	vm1 =	vlt.f32 v16, $7.071067690e-01;
	v23 =	vcvt.s32.f32 v23;
	v7 =	vadd.f32 $3.333333130e-01, v7  }
0x126: {  	v25 =	vnsel vm1, $0x80000000, v16;
	v15 =	vadd.f32 $-1.000000000e+00, v15;
	v9 =	vadd.f32 $3.333333130e-01, v9  }
0x127: {  	v16 =	vadd.f32 v16, v25;
	v25 =	vmul.f32 $2.121944420e-04, v13;
	v7 =	vmul.f32 v7, v8  }
0x128: {  	v27 =	vmul.f32 $2.121944420e-04, v23;
	v9 =	vmul.f32 v9, v19  }
0x129: {  	v12 =	vadd.f32 $1.000000000e+00, v12;
	v28 =	vmul.f32 $7.037683580e-02, v15;
	v7 =	vmul.f32 v7, v24  }
0x12a: {  	v16 =	vadd.f32 $-1.000000000e+00, v16;
	v24 =	vmul.f32 $5.000000000e-01, v24;
	v9 =	vmul.f32 v9, v26  }
0x12b: {  	v26 =	vmul.f32 $5.000000000e-01, v26;
	v25 =	vsub.f32 v7, v25;
	v7 =	vadd.f32 v17, v18  }
0x12c: {  	v17 =	vadd.f32 $-1.151461010e-01, v28;
	v18 =	vmul.f32 $7.037683580e-02, v16;
	v9 =	vsub.f32 v9, v27  }
0x12d: {  	v24 =	vsub.f32 v25, v24;
	v25 =	vmul.f32 $5.000000000e-01, v12  }
0x12e: {  	v12 =	vmul.f32 v17, v15;
	v17 =	vadd.f32 $-1.151461010e-01, v18;
	v9 =	vsub.f32 v9, v26;
	_ =	sdelay $0x1  }
0x12f: {  	v18 =	vld [tilespmem:s31+$0x1F40];
	v17 =	vmul.f32 v17, v16;
	v9 =	vadd.f32 v9, v19;
	v19 =	vmul.f32 $6.933593750e-01, v23  }
0x130: {  	v13 =	vmul.f32 $6.933593750e-01, v13;
	v26 =	vld [tilespmem:s31+$0x2710];
	v8 =	vadd.f32 v24, v8;
	v24 =	vsub.f32 $1.000000000e+00, v25  }
0x131: {  	v14 =	vshll.u32 v14, $0x10;
	s31 =	simm.s32 $0x30;
	v23 =	vadd.f32 $1.167699840e-01, v12;
	v17 =	vadd.f32 $1.167699840e-01, v17  }
0x132: {  	v20 =	vshrl.u32 v20, $0x17;
	v27 =	vadd.f32 v8, v13;
	v13 =	vld [tilespmem:s31+$0x36B0];
	v9 =	vadd.f32 v9, v19  }
0x133: {  	vm2 =	vmmov vm2;
	v12 =	vld [tilespmem:s31+$0x2EE0];
	v23 =	vmul.f32 v23, v15;
	v17 =	vmul.f32 v17, v16;
	v19 =	vpop (erf)  }
0x134: {  	v25 =	vmul.f32 v27, v25;
	v9 =	vmul.f32 v9, v24;
	v19 =	vadd.f32 $1.000000000e+00, v19  }
0x135: {  	vm0 =	veq.s32 v18, v26;
	v18 =	vadd.f32 $-1.242014100e-01, v23;
	v17 =	vadd.f32 $-1.242014100e-01, v17  }
0x136: {  	v8 =	vimm.f32 $0.0e+00;
	v9 =	vadd.f32 v9, v25;
	(erf) = vrcp.f32 v19  }
0x137: {  	v18 =	vmul.f32 v18, v15;
	v23 =	vand.u32 $0xFFFF0000, v13;
	v17 =	vmul.f32 v17, v16  }
0x138: {  	v19 =	vshll.u32 v21, $0x10;
	v21 =	vand.u32 $0xFFFF0000, v12;
	v9 =	vsub.f32 $0.0e+00, v9  }
0x139: {  	v26 =	vshrl.u32 v22, $0x17;
	v21 =	vsub.f32 v23, v21;
	v17 =	vadd.f32 $1.424932330e-01, v17  }
0x13a: {  	v19 =	vsub.f32 v14, v19;
	v18 =	vadd.f32 $1.424932330e-01, v18;
	v14 =	vsel vm0, $0x0, v0  }
0x13b: {  	v9 =	vsel vm0, $0x0, v9;
	v21 =	vadd.f32 $0.0e+00, v21;
	v17 =	vmul.f32 v17, v16  }
0x13c: {  	v23 =	vand.u32 $0x80000000, v19;
	vm0 =	vlt.f32 v19, $0.0e+00;
	v18 =	vmul.f32 v18, v15  }
0x13d: {  	vm3 =	vgt.f32 v19, $0.0e+00;
	v24 =	vmul.f32 $1.442695020e+00, v21;
	v17 =	vadd.f32 $-1.666805740e-01, v17  }
0x13e: {  	vm0 =	vmor vm3, vm0;
	v21 =	vor.u32 v23, v2;
	v25 =	vadd.f32 $-1.666805740e-01, v18  }
0x13f: {  	v21 =	vsel vm0, v21, v19;
	v23 =	vpop (erf);
	(erf) = vpow2.f32 v24;
	v24 =	vmul.f32 v17, v16  }
0x140: {  	v18 =	vadd.f32 $1.000000010e-07, v23;
	v19 =	vsub.f32 $1.000000000e+00, v23;
	v23 =	vmul.f32 v25, v15  }
0x141: {  	v27 =	vsel vm2, $0xFFFFFFFF, v1;
	v9 =	vadd.f32 v9, v8;
	v24 =	vadd.f32 $2.000071410e-01, v24  }
0x142: {  	v25 =	vand.u32 $0x7FFFFF, v18;
	v17 =	vadd.f32 $1.000000010e-07, v19;
	v23 =	vadd.f32 $2.000071410e-01, v23  }
0x143: {  	v19 =	vand.u32 $0xFF, v20;
	v20 =	vor.u32 $0x3F000000, v25;
	v28 =	vmul.f32 v24, v16  }
0x144: {  	v19 =	vadd.s32 v27, v19;
	vm0 =	vlt.f32 v20, $7.071067690e-01;
	v23 =	vmul.f32 v23, v15  }
0x145: {  	v24 =	vand.u32 $0xFF, v26;
	v25 =	vand.u32 $0x7FFFFF, v17;
	v29 =	vnsel vm0, $0x80000000, v20  }
0x146: {  	v22 =	vor.u32 $0x3F000000, v25;
	v25 =	vadd.f32 $-2.499999400e-01, v28;
	v26 =	vadd.f32 $-2.499999400e-01, v23  }
0x147: {  	s2 =	simm.s32 $0x100;
	v27 =	vadd.s32 $0xFFFFFF82, v19;
	v28 =	vsel vm1, $0xFFFFFFFF, v1;
	v23 =	vadd.f32 v20, v29;
	v19 =	vmovc v15;
	v20 =	vmovc v16  }
.LBB2_5:
0x148: {  	p0 =	sne.s32 s2, $0x1F00;
	v29 =	vpop (erf);
	v26 =	vmul.f32 v26, v15;
	v24 =	vadd.s32 v28, v24;
	v25 =	vmul.f32 v25, v16  }
0x149: {  	vm1 =	vlt.f32 v22, $7.071067690e-01;
	v27 =	vcvt.s32.f32 v27;
	v24 =	vadd.s32 $0xFFFFFF82, v24  }
0x14a: {  	v28 =	vmul.f32 v19, v15;
	v26 =	vadd.f32 $3.333333130e-01, v26;
	v25 =	vadd.f32 $3.333333130e-01, v25  }
0x14b: {  	v31 =	vmul.f32 v20, v16;
	v30 =	vnsel vm1, $0x80000000, v22;
	v24 =	vcvt.s32.f32 v24  }
0x14c: {  	v19 =	vadd.f32 $-1.000000000e+00, v23;
	v20 =	vmul.f32 v26, v15;
	v23 =	vmul.f32 v25, v16  }
0x14d: {  	v22 =	vadd.f32 v22, v30;
	v25 =	vmul.f32 $2.121944420e-04, v27;
	v26 =	vmul.f32 $2.121944420e-04, v24  }
0x14e: {  	v21 =	vadd.f32 $1.000000000e+00, v21;
	v30 =	vmul.f32 v20, v28;
	v23 =	vmul.f32 v23, v31  }
0x14f: {  	v32 =	vmul.f32 $7.037683580e-02, v19;
	v20 =	vadd.f32 $-1.000000000e+00, v22;
	v22 =	vmul.f32 $5.000000000e-01, v28  }
0x150: {  	v25 =	vsub.f32 v30, v25;
	v23 =	vsub.f32 v23, v26;
	v26 =	vmul.f32 $5.000000000e-01, v31  }
0x151: {  	v8 =	vadd.f32 v14, v8;
	v28 =	vadd.f32 $-1.151461010e-01, v32;
	v30 =	vmul.f32 $7.037683580e-02, v20  }
0x152: {  	v21 =	vmul.f32 $5.000000000e-01, v21;
	v14 =	vsub.f32 v25, v22;
	v22 =	vsub.f32 v23, v26  }
0x153: {  	v27 =	vmul.f32 $6.933593750e-01, v27;
	v23 =	vmul.f32 v28, v19;
	v25 =	vadd.f32 $-1.151461010e-01, v30;
	v26 =	vld [tilespmem:s29+$0x1F40]  }
0x154: {  	v24 =	vmul.f32 $6.933593750e-01, v24;
	v28 =	vld [tilespmem:s29+$0x2710];
	v14 =	vadd.f32 v14, v15;
	v22 =	vadd.f32 v22, v16;
	v15 =	vmovc v19;
	v16 =	vmovc v20;
	s29 =	smov.u32 s30;
	s30 =	smov.u32 s31  }
0x155: {  	v30 =	vsub.f32 $1.000000000e+00, v21;
	v23 =	vadd.f32 $1.167699840e-01, v23;
	v25 =	vmul.f32 v25, v16  }
0x156: {  	vm2 =	vmmov vm0;
	s31 =	sshra.s32 s2, $0x2;
	v14 =	vadd.f32 v14, v27;
	v22 =	vadd.f32 v22, v24  }
0x157: {  	v23 =	vmul.f32 v23, v15;
	v24 =	vld [tilespmem:s31+$0x2EE0];
	v25 =	vadd.f32 $1.167699840e-01, v25  }
0x158: {  	v29 =	vadd.f32 $1.000000000e+00, v29;
	v27 =	vld [tilespmem:s31+$0x36B0];
	v14 =	vmul.f32 v14, v21;
	v21 =	vmul.f32 v22, v30  }
0x159: {  	v22 =	vmul.f32 v25, v16;
	vm0 =	veq.s32 v26, v28  }
0x15a: {  	v23 =	vadd.f32 $-1.242014100e-01, v23;
	(erf) = vrcp.f32 v29;
	v14 =	vadd.f32 v21, v14  }
0x15b: {  	v25 =	vshll.u32 v11, $0x10;
	v11 =	vmovc v13;
	v21 =	vshll.u32 v10, $0x10;
	v10 =	vmovc v12;
	v22 =	vadd.f32 $-1.242014100e-01, v22  }
0x15c: {  	v23 =	vmul.f32 v23, v15;
	v26 =	vand.u32 $0xFFFF0000, v24;
	v14 =	vsub.f32 $0.0e+00, v14;
	v12 =	vmovc v24  }
0x15d: {  	v21 =	vsub.f32 v21, v25;
	v24 =	vand.u32 $0xFFFF0000, v27;
	v22 =	vmul.f32 v22, v16;
	v13 =	vmovc v27  }
0x15e: {  	v23 =	vadd.f32 $1.424932330e-01, v23;
	v24 =	vsub.f32 v24, v26;
	v14 =	vsel vm0, $0x0, v14  }
0x15f: {  	v22 =	vadd.f32 $1.424932330e-01, v22;
	v9 =	vadd.f32 v14, v9;
	v14 =	vsel vm0, $0x0, v0  }
0x160: {  	v25 =	vand.u32 $0x80000000, v21;
	vm0 =	vlt.f32 v21, $0.0e+00;
	v24 =	vadd.f32 $0.0e+00, v24  }
0x161: {  	vm3 =	vgt.f32 v21, $0.0e+00;
	v23 =	vmul.f32 v23, v15;
	v22 =	vmul.f32 v22, v16  }
0x162: {  	v25 =	vor.u32 v25, v2;
	vm0 =	vmor vm3, vm0;
	v24 =	vmul.f32 $1.442695020e+00, v24  }
0x163: {  	v23 =	vadd.f32 $-1.666805740e-01, v23;
	v21 =	vsel vm0, v25, v21;
	v26 =	vpop (erf);
	v22 =	vadd.f32 $-1.666805740e-01, v22  }
0x164: {  	(erf) = vpow2.f32 v24;
	v24 =	vadd.f32 $1.000000010e-07, v26;
	v25 =	vsub.f32 $1.000000000e+00, v26  }
0x165: {  	v28 =	vshrl.u32 v18, $0x17;
	v23 =	vmul.f32 v23, v15;
	v22 =	vmul.f32 v22, v16  }
0x166: {  	v27 =	vand.u32 $0xFF, v28;
	v26 =	vand.u32 $0x7FFFFF, v24;
	v25 =	vadd.f32 $1.000000010e-07, v25;
	v18 =	vmovc v24  }
0x167: {  	v23 =	vadd.f32 $2.000071410e-01, v23;
	v28 =	vor.u32 $0x3F000000, v26;
	v22 =	vadd.f32 $2.000071410e-01, v22  }
.Ltmp1:
0x168: {  	v26 =	vshrl.u32 v17, $0x17;
	vm0 =	vlt.f32 v28, $7.071067690e-01;
	v24 =	vand.u32 $0x7FFFFF, v25;
	v17 =	vmovc v25;
	(pc) =	sbr.rel @p0 .LBB2_5-.Ltmp1, $4  }
0x169: {  	v23 =	vmul.f32 v23, v15;
	v25 =	vsel vm2, $0xFFFFFFFF, v1;
	v29 =	vmul.f32 v22, v16  }
0x16a: {  	v30 =	vnsel vm0, $0x80000000, v28;
	v22 =	vor.u32 $0x3F000000, v24;
	v24 =	vand.u32 $0xFF, v26  }
0x16b: {  	v27 =	vadd.s32 v25, v27;
	v26 =	vadd.f32 $-2.499999400e-01, v23;
	v25 =	vadd.f32 $-2.499999400e-01, v29  }
0x16c: {  	s2 =	sadd.s32 $0x40, s2;
	v23 =	vadd.f32 v28, v30;
	v27 =	vadd.s32 $0xFFFFFF82, v27;
	v28 =	vsel vm1, $0xFFFFFFFF, v1  }
0x16d: {  	v26 =	vmul.f32 v26, v15;
	v24 =	vadd.s32 v28, v24  }
0x16e: {  	v25 =	vmul.f32 v25, v16;
	vm1 =	vlt.f32 v22, $7.071067690e-01;
	v27 =	vcvt.s32.f32 v27  }
0x16f: {  	v29 =	vmul.f32 v19, v15;
	v58 =	vmul.f32 v20, v16;
	v21 =	vadd.f32 $1.000000000e+00, v21  }
0x170: {  	v59 =	vpop (erf);
	v10 =	vshll.u32 v10, $0x10;
	v11 =	vshll.u32 v11, $0x10;
	vm3 =	vmmov vm0  }
0x171: {  	v18 =	vshrl.u32 v18, $0x17;
	v17 =	vshrl.u32 v17, $0x17;
	v62 =	vadd.f32 $1.000000000e+00, v59  }
0x172: {  	v12 =	vshll.u32 v12, $0x10;
	v13 =	vshll.u32 v13, $0x10;
	v56 =	vnsel vm1, $0x80000000, v22  }
0x173: {  	v19 =	vadd.f32 $-1.000000000e+00, v23;
	v10 =	vsub.f32 v10, v11;
	(erf) = vrcp.f32 v62  }
0x174: {  	v24 =	vadd.s32 $0xFFFFFF82, v24;
	v22 =	vadd.f32 v22, v56;
	v25 =	vadd.f32 $3.333333130e-01, v25  }
0x175: {  	v57 =	vadd.f32 $3.333333130e-01, v26;
	v24 =	vcvt.s32.f32 v24;
	v63 =	vmul.f32 $2.121944420e-04, v27  }
0x176: {  	v30 =	vmul.f32 $7.037683580e-02, v19;
	v20 =	vadd.f32 $-1.000000000e+00, v22;
	v61 =	vmul.f32 v25, v16  }
0x177: {  	v54 =	vsel vm3, $0xFFFFFFFF, v1;
	v60 =	vmul.f32 v57, v15;
	v32 =	vmul.f32 $2.121944420e-04, v24  }
0x178: {  	v30 =	vadd.f32 $-1.151461010e-01, v30;
	v31 =	vmul.f32 $7.037683580e-02, v20;
	v23 =	vmul.f32 v61, v58  }
0x179: {  	v18 =	vand.u32 $0xFF, v18;
	v26 =	vmul.f32 $5.000000000e-01, v58;
	v22 =	vmul.f32 v60, v29  }
0x17a: {  	v34 =	vmul.f32 v30, v19;
	v35 =	vadd.f32 $-1.151461010e-01, v31;
	v23 =	vsub.f32 v23, v32  }
0x17b: {  	v12 =	vsub.f32 v12, v13;
	v29 =	vmul.f32 $5.000000000e-01, v29;
	v22 =	vsub.f32 v22, v63  }
0x17c: {  	v25 =	vadd.f32 $1.167699840e-01, v34;
	v36 =	vmul.f32 v35, v20;
	v23 =	vsub.f32 v23, v26;
	v43 =	vpop (erf)  }
0x17d: {  	v17 =	vand.u32 $0xFF, v17;
	v22 =	vsub.f32 v22, v29;
	v44 =	vsub.f32 $1.000000000e+00, v43  }
0x17e: {  	v37 =	vmul.f32 $6.933593750e-01, v27;
	v28 =	vadd.f32 $1.167699840e-01, v36;
	v40 =	vadd.f32 v23, v16  }
0x17f: {  	v21 =	vmul.f32 $5.000000000e-01, v21;
	v46 =	vadd.f32 $1.000000010e-07, v43;
	v16 =	vadd.f32 $1.000000010e-07, v44  }
0x180: {  	v18 =	vadd.s32 v54, v18;
	v25 =	vmul.f32 v25, v19;
	v39 =	vmul.f32 v28, v20  }
0x181: {  	v38 =	vadd.f32 v22, v15;
	v49 =	vand.u32 $0x7FFFFF, v46;
	v50 =	vand.u32 $0x7FFFFF, v16  }
0x182: {  	v22 =	vadd.f32 $-1.242014100e-01, v39;
	v23 =	vor.u32 $0x3F000000, v49;
	v26 =	vor.u32 $0x3F000000, v50  }
0x183: {  	v25 =	vadd.f32 $-1.242014100e-01, v25;
	vm2 =	vlt.f32 v23, $7.071067690e-01;
	vm7 =	vlt.f32 v26, $7.071067690e-01  }
0x184: {  	v22 =	vmul.f32 v22, v20;
	v51 =	vnsel vm2, $0x80000000, v23;
	v52 =	vnsel vm7, $0x80000000, v26  }
0x185: {  	v53 =	vand.u32 $0x80000000, v10;
	v23 =	vadd.f32 v23, v51;
	v26 =	vadd.f32 v26, v52  }
0x186: {  	vm8 =	vlt.f32 v10, $0.0e+00;
	v25 =	vmul.f32 v25, v19;
	v47 =	vadd.f32 $1.424932330e-01, v22  }
0x187: {  	v18 =	vadd.s32 $0xFFFFFF82, v18;
	v23 =	vadd.f32 $-1.000000000e+00, v23;
	v26 =	vadd.f32 $-1.000000000e+00, v26  }
0x188: {  	vm9 =	vgt.f32 v10, $0.0e+00;
	v45 =	vadd.f32 $1.424932330e-01, v25;
	v11 =	vmul.f32 v47, v20  }
0x189: {  	vm11 =	vlt.f32 v12, $0.0e+00;
	v55 =	vmul.f32 $7.037683580e-02, v23;
	v56 =	vmul.f32 $7.037683580e-02, v26  }
0x18a: {  	vm12 =	vgt.f32 v12, $0.0e+00;
	v48 =	vmul.f32 v45, v19;
	v11 =	vadd.f32 $-1.666805740e-01, v11  }
0x18b: {  	v41 =	vmul.f32 $6.933593750e-01, v24;
	v28 =	vadd.f32 $-1.151461010e-01, v55;
	v30 =	vadd.f32 $-1.151461010e-01, v56  }
0x18c: {  	v18 =	vcvt.s32.f32 v18;
	v22 =	vadd.f32 $-1.666805740e-01, v48;
	v11 =	vmul.f32 v11, v20  }
0x18d: {  	v57 =	vsel vm1, $0xFFFFFFFF, v1;
	v28 =	vmul.f32 v28, v23;
	v30 =	vmul.f32 v30, v26  }
0x18e: {  	vm1 =	vmor vm9, vm8;
	v22 =	vmul.f32 v22, v19;
	v11 =	vadd.f32 $2.000071410e-01, v11  }
0x18f: {  	vm0 =	vmor vm12, vm11;
	v58 =	vadd.f32 $1.167699840e-01, v28;
	v59 =	vadd.f32 $1.167699840e-01, v30  }
0x190: {  	v60 =	vmul.f32 v19, v19;
	v22 =	vadd.f32 $2.000071410e-01, v22;
	v11 =	vmul.f32 v11, v20  }
0x191: {  	v17 =	vadd.s32 v57, v17;
	v27 =	vmul.f32 v58, v23;
	v28 =	vmul.f32 v59, v26  }
0x192: {  	v61 =	vmul.f32 v20, v20;
	v22 =	vmul.f32 v22, v19;
	v11 =	vadd.f32 $-2.499999400e-01, v11  }
0x193: {  	v62 =	vmul.f32 $2.121944420e-04, v18;
	v27 =	vadd.f32 $-1.242014100e-01, v27;
	v28 =	vadd.f32 $-1.242014100e-01, v28  }
0x194: {  	v18 =	vmul.f32 $6.933593750e-01, v18;
	v22 =	vadd.f32 $-2.499999400e-01, v22;
	v11 =	vmul.f32 v11, v20  }
0x195: {  	v17 =	vadd.s32 $0xFFFFFF82, v17;
	v27 =	vmul.f32 v27, v23;
	v28 =	vmul.f32 v28, v26  }
0x196: {  	v63 =	vsub.f32 $1.000000000e+00, v21;
	v22 =	vmul.f32 v22, v19;
	v11 =	vadd.f32 $3.333333130e-01, v11  }
0x197: {  	v17 =	vcvt.s32.f32 v17;
	v27 =	vadd.f32 $1.424932330e-01, v27;
	v28 =	vadd.f32 $1.424932330e-01, v28  }
0x198: {  	v31 =	vmul.f32 $5.000000000e-01, v61;
	v22 =	vadd.f32 $3.333333130e-01, v22;
	v11 =	vmul.f32 v11, v20  }
0x199: {  	v29 =	vor.u32 v53, v2;
	v27 =	vmul.f32 v27, v23;
	v28 =	vmul.f32 v28, v26  }
0x19a: {  	v33 =	vmul.f32 $2.121944420e-04, v17;
	v10 =	vsel vm1, v29, v10;
	v22 =	vmul.f32 v22, v19  }
0x19b: {  	v11 =	vmul.f32 v11, v61;
	v27 =	vadd.f32 $-1.666805740e-01, v27;
	v28 =	vadd.f32 $-1.666805740e-01, v28  }
0x19c: {  	v42 =	vadd.f32 v38, v37;
	v15 =	vadd.f32 v40, v41;
	v22 =	vmul.f32 v22, v60  }
0x19d: {  	v11 =	vsub.f32 v11, v33;
	v33 =	vmul.f32 v27, v23;
	v34 =	vmul.f32 v28, v26  }
0x19e: {  	v37 =	vshrl.u32 v46, $0x17;
	v30 =	vmul.f32 $5.000000000e-01, v60;
	v22 =	vsub.f32 v22, v62  }
0x19f: {  	v13 =	vand.u32 $0xFF, v37;
	v35 =	vadd.f32 $2.000071410e-01, v33;
	v36 =	vadd.f32 $2.000071410e-01, v34  }
0x1a0: {  	v16 =	vshrl.u32 v16, $0x17;
	v22 =	vsub.f32 v22, v30;
	v11 =	vsub.f32 v11, v31  }
0x1a1: {  	vm10 =	vmmov vm2;
	v38 =	vmul.f32 v35, v23;
	v39 =	vmul.f32 v36, v26  }
0x1a2: {  	v40 =	vsel vm10, $0xFFFFFFFF, v1;
	v19 =	vadd.f32 v22, v19;
	v11 =	vadd.f32 v11, v20  }
0x1a3: {  	v13 =	vadd.s32 v40, v13;
	v20 =	vadd.f32 $-2.499999400e-01, v38;
	v22 =	vadd.f32 $-2.499999400e-01, v39  }
0x1a4: {  	v16 =	vand.u32 $0xFF, v16;
	v41 =	vsel vm7, $0xFFFFFFFF, v1;
	v13 =	vadd.s32 $0xFFFFFF82, v13  }
0x1a5: {  	v16 =	vadd.s32 v41, v16;
	v20 =	vmul.f32 v20, v23;
	v22 =	vmul.f32 v22, v26  }
0x1a6: {  	v21 =	vmul.f32 v42, v21;
	v13 =	vcvt.s32.f32 v13;
	v16 =	vadd.s32 $0xFFFFFF82, v16  }
0x1a7: {  	v43 =	vmul.f32 v23, v23;
	v20 =	vadd.f32 $3.333333130e-01, v20;
	v22 =	vadd.f32 $3.333333130e-01, v22  }
0x1a8: {  	v10 =	vadd.f32 $1.000000000e+00, v10;
	v16 =	vcvt.s32.f32 v16;
	v44 =	vmul.f32 v26, v26  }
0x1a9: {  	v42 =	vand.u32 $0x80000000, v12;
	v20 =	vmul.f32 v20, v23;
	v22 =	vmul.f32 v22, v26  }
0x1aa: {  	v24 =	vor.u32 v42, v2;
	v45 =	vmul.f32 $2.121944420e-04, v13;
	v46 =	vmul.f32 $2.121944420e-04, v16  }
0x1ab: {  	v12 =	vsel vm0, v24, v12;
	v20 =	vmul.f32 v20, v43;
	v22 =	vmul.f32 v22, v44  }
0x1ac: {  	v10 =	vmul.f32 $5.000000000e-01, v10;
	v12 =	vadd.f32 $1.000000000e+00, v12;
	v48 =	vmul.f32 $5.000000000e-01, v43  }
0x1ad: {  	v49 =	vmul.f32 $5.000000000e-01, v44;
	v20 =	vsub.f32 v20, v45;
	v22 =	vsub.f32 v22, v46  }
0x1ae: {  	v17 =	vmul.f32 $6.933593750e-01, v17;
	v15 =	vmul.f32 v15, v63;
	v50 =	vld [tilespmem:s29+$0x1F40];
	v47 =	vsub.f32 $1.000000000e+00, v10  }
0x1af: {  	v51 =	vld [tilespmem:s29+$0x2710];
	v12 =	vmul.f32 $5.000000000e-01, v12;
	v20 =	vsub.f32 v20, v48;
	v22 =	vsub.f32 v22, v49  }
0x1b0: {  	v13 =	vmul.f32 $6.933593750e-01, v13;
	v18 =	vadd.f32 v19, v18;
	v11 =	vadd.f32 v11, v17  }
0x1b1: {  	v16 =	vmul.f32 $6.933593750e-01, v16;
	v52 =	vadd.f32 v20, v23;
	v53 =	vadd.f32 v22, v26  }
0x1b2: {  	v54 =	vld [tilespmem:s30+$0x1F40];
	v15 =	vadd.f32 v15, v21;
	v55 =	vsub.f32 $1.000000000e+00, v12;
	v10 =	vmul.f32 v18, v10  }
0x1b3: {  	v56 =	vld [tilespmem:s30+$0x2710];
	v11 =	vmul.f32 v11, v47;
	v13 =	vadd.f32 v52, v13;
	v16 =	vadd.f32 v53, v16  }
0x1b4: {  	v8 =	vadd.f32 v14, v8;
	p0 =	slt.u32 s28, s7;
	s2 =	simm.f32 $1.000000000e+00;
	v57 =	vld [tilespmem:s31+$0x1F40];
	v15 =	vsub.f32 $0.0e+00, v15;
	vm13 =	veq.s32 v50, v51  }
0x1b5: {  	s2 =	simm.s32 @!p0 $0x0;
	v58 =	vld [tilespmem:s31+$0x2710];
	v10 =	vadd.f32 v11, v10;
	v12 =	vmul.f32 v13, v12;
	v59 =	vmul.f32 v16, v55  }
0x1b6: {  	v6 =	vmul.f32 s2, v6;
	v7 =	vmul.f32 s2, v7;
	v60 =	vsel vm13, $0x0, v15  }
0x1b7: {  	v61 =	vsel vm13, $0x0, v0;
	v10 =	vsub.f32 $0.0e+00, v10;
	v12 =	vadd.f32 v59, v12  }
0x1b8: {  	vm14 =	veq.s32 v54, v56;
	v9 =	vadd.f32 v60, v9;
	v8 =	vadd.f32 v61, v8  }
0x1b9: {  	v62 =	vsel vm14, $0x0, v0;
	v10 =	vsel vm14, $0x0, v10;
	v12 =	vsub.f32 $0.0e+00, v12  }
0x1ba: {  	s25 =	sadd.s32 $0x1, s25;
	p0 =	slt.u32 s26, s7;
	s2 =	simm.f32 $1.000000000e+00;
	vm15 =	veq.s32 v57, v58;
	v8 =	vadd.f32 v62, v8;
	v9 =	vadd.f32 v10, v9  }
0x1bb: {  	s2 =	simm.s32 @!p0 $0x0;
	p0 =	sne.s32 s25, $0x4F;
	v11 =	vsel vm15, $0x0, v0;
	v63 =	vsel vm15, $0x0, v12  }
.Ltmp2:
0x1bc: {  	v8 =	vadd.f32 v11, v8;
	v9 =	vadd.f32 v63, v9;
	(pc) =	sbr.rel @p0 .LBB2_2-.Ltmp2, $3  }
0x1bd: {  	v5 =	vadd.f32 v6, v5  }
0x1be: {  	v3 =	vadd.f32 v7, v3;
	v7 =	vmul.f32 s2, v8;
	v6 =	vmul.f32 s2, v9;
	_ =	sdelay $0x1  }
0x1bf: {  	v3 =	vadd.f32 v7, v3;
	v5 =	vadd.f32 v6, v5  }
0x1c0: {  	_ =	swait.ge [sflag:s21], $0x7D0  }
0x1c1: {  	[sflag:s21] =	ssyncset.done $0x0  }
0x1c2: {  	[sflag:s21] =	ssyncadd.s32 $0xFFFFF830  }
0x1c3: {  	_ =	swait.ge [sflag:s21], $0x7D0  }
0x1c4: {  	[sflag:s21] =	ssyncset.done $0x0  }
0x1c5: {  	s24 =	sadd.s32 $0x1, s24;
	[sflag:s21] =	ssyncadd.s32 $0xFFFFF830  }
0x1c6: {  	p0 =	sne.s32 s24, s12;
	[tilespmem:$0x3E80] =	vst v5  }
.Ltmp3:
0x1c7: {  	[tilespmem:$0x3E90] =	vst v3;
	(pc) =	sbr.rel @p0 .LBB2_1-.Ltmp3, $4  }
0x1c8: {  	[hbm4b:s11+s5] =	stream.linear.scatter [tilespmem:s23], [sflag:$0x3], $0x20, $0x38;
	[tilespmem:$0x3EA0] =	vst v63  }
0x1c9: {  	_ =	swait.ge [sflag:s13], $0x20  }
0x1ca: {  	[sflag:s13] =	ssyncset.done $0x0  }
0x1cb: {  	[sflag:s13] =	ssyncadd.s32 $0xFFFFFFE0  }
0x1cc: {  	_ =	sfence.sel $0x180000  }
0x1cd: {  	[bflag:$0x0] =	sbarrier.arrive $0xFFFF  }
0x1ce: {  	_ =	strace $0x90000047  }
0x1cf: {  	[bflag:$0x2] =	sbarrier.arrive $0xFFFF  }
0x1d0: {  	p0 =	sne.s32 s0, $0x0;
	s0 =	rddreg [dreg:$0x3]  }
0x1d1: {  	s0 =	sadd.s32 @!p0 $0x100000, s0  }
0x1d2: {  	[sflag:s0] =	ssyncadd.tile.s32 @!p0 $0x1;
	_ =	shalt  }
.Lfunc_end2:
_tile_overlayer_lowered:
.L_overlay_start_2:
0x1d3: {  	(tag) =	ssettag $0x2  }
0x1d4: {  	s0 =	rddreg [dreg:$0x0];
	s2 =	stileid.u32  }
0x1d5: {  	s1 =	rddreg [dreg:$0x1];
	p0 =	sne.s32 s2, $0x0  }
0x1d6: {  	s3 =	rddreg [dreg:$0x2];
	[bflag:$0x3] =	sbarrier.arrive $0xFFFF;
	s2 =	simm.s32 @!p0 $0x1C03  }
0x1d7: {  	[timem:s3], [sflag:s2] =	dma.local @!p0 [hbm:s0], s1  }
0x1d8: {  	s0 =	simm.s32 @!p0 $0x3  }
0x1d9: {  	_ =	swait.ge @!p0 [sflag:s0], s1  }
0x1da: {  	s1 =	ssub.s32 @!p0 $0x0, s1;
	[sflag:s0] =	ssyncset.done @!p0 $0x0  }
0x1db: {  	[sflag:s0] =	ssyncadd.s32 @!p0 s1  }
0x1dc: {  	[bflag:$0x3] =	sbarrier.arrive $0xFFFF  }
0x1dd: {  	_ =	shalt  }

</sc_bundles>
